<compile_context>
chip_gen: v7x
topology: tpu7x:2x2x1
jax: 0.10.2.dev20260603
libtpu: 0.0.44.dev20260713+nightly
codegen_flags: <defaults>
</compile_context>

<pallas_src>
import functools
import jax, jax.numpy as jnp
from jax import lax
from jax.experimental import pallas as pl
from jax.experimental.pallas import tpu as pltpu
from jax.experimental.pallas import tpu_sc as plsc

_C = 21
_N = 4 * 512 * 512
_NB = 1024
_NW = 32
_HSIZE = 2 * _C * _NB
_HB = 64
_NE = _N * _C
_EW = _NE // _NW
_CH2 = 16384
_NCHUNK2 = _EW // _CH2


def _tc_stats_kernel(x_ref, t_ref, q_ref, p_ref):
    t = t_ref[0]
    m = x_ref[0, 0]
    for c in range(1, _C):
        m = jnp.maximum(m, x_ref[0, c])
    s = jnp.zeros_like(m)
    for c in range(_C):
        ec = jnp.exp(x_ref[0, c] - m)
        p_ref[c] = ec
        s = s + ec
    rs = 1.0 / s
    for c in range(_C):
        p = p_ref[c] * rs
        fg = t == c
        e = jnp.where(fg, 1.0 - p, p)
        q = jnp.minimum((e * float(_NB)).astype(jnp.int32), _NB - 1)
        full = q + jnp.where(fg, (_C + c) * _NB, c * _NB)
        q_ref[0, c] = full.reshape(_HB * 4, 128)


def _tc_stats(predict, target):
    return pl.pallas_call(
        _tc_stats_kernel,
        grid=(4, 512 // _HB),
        in_specs=[
            pl.BlockSpec((1, _C, _HB, 512), lambda i, j: (i, 0, j, 0)),
            pl.BlockSpec((1, _HB, 512), lambda i, j: (i, j, 0)),
        ],
        out_specs=pl.BlockSpec((1, _C, _HB * 4, 128), lambda i, j: (i, 0, j, 0)),
        out_shape=jax.ShapeDtypeStruct((4, _C, 2048, 128), jnp.int32),
        scratch_shapes=[pltpu.VMEM((_C, _HB, 512), jnp.float32)],
    )(predict, target)


_mesh = plsc.VectorSubcoreMesh(core_axis_name="c", subcore_axis_name="s")


@functools.partial(
    pl.kernel,
    out_type=jax.ShapeDtypeStruct((_NW, 2, _HSIZE), jnp.float32),
    mesh=_mesh,
    scratch_types=[
        pltpu.VMEM((_CH2,), jnp.int32),
        pltpu.VMEM((_CH2,), jnp.int32),
        pltpu.VMEM((_HSIZE,), jnp.float32),
        pltpu.VMEM((_HSIZE,), jnp.float32),
        pltpu.SemaphoreType.DMA,
    ],
    compiler_params=pltpu.CompilerParams(needs_layout_passes=False),
)
def _sc_hist(qf_hbm, out_hbm, qbuf0, qbuf1, hista, histb, sem):
    cid = lax.axis_index("c")
    sid = lax.axis_index("s")
    wid = sid * 2 + cid
    base = wid * _EW

    zeros16 = jnp.zeros((16,), jnp.float32)
    ones16 = jnp.ones((16,), jnp.float32)

    def zbody(i, carry):
        hista[pl.ds(i * 16, 16)] = zeros16
        histb[pl.ds(i * 16, 16)] = zeros16
        return carry

    lax.fori_loop(0, _HSIZE // 16, zbody, 0)

    def scatter_chunk(buf):
        def ibody(i, carry):
            vs = [buf[pl.ds(i * 256 + u * 16, 16)] for u in range(16)]
            for u, v in enumerate(vs):
                plsc.addupdate_scatter(hista if u % 2 == 0 else histb,
                                       [v], ones16)
            return carry
        lax.fori_loop(0, _CH2 // 256, ibody, 0)

    pltpu.async_copy(qf_hbm.at[pl.ds(base, _CH2)], qbuf0, sem)

    def chunk_body(k, carry):
        ck = 2 * k
        pltpu.make_async_copy(qf_hbm.at[pl.ds(base, _CH2)], qbuf0, sem).wait()
        pltpu.async_copy(
            qf_hbm.at[pl.ds(base + (ck + 1) * _CH2, _CH2)], qbuf1, sem)
        scatter_chunk(qbuf0)
        pltpu.make_async_copy(qf_hbm.at[pl.ds(base, _CH2)], qbuf1, sem).wait()

        @pl.when(ck + 2 < _NCHUNK2)
        def _():
            pltpu.async_copy(
                qf_hbm.at[pl.ds(base + (ck + 2) * _CH2, _CH2)], qbuf0, sem)

        scatter_chunk(qbuf1)
        return carry

    lax.fori_loop(0, _NCHUNK2 // 2, chunk_body, 0)
    pltpu.sync_copy(hista, out_hbm.at[wid, 0])
    pltpu.sync_copy(histb, out_hbm.at[wid, 1])


def _suffix_sum(x):
    y = x
    k = 1
    while k < _NB:
        y = y + jnp.concatenate(
            [y[:, k:], jnp.zeros((y.shape[0], k), jnp.float32)], axis=1)
        k *= 2
    return y


import numpy as _np

_NLL_BIN = _np.asarray(
    -_np.log(1.0 - (_np.arange(_NB, dtype=_np.float64) + 0.5) / _NB),
    dtype=_np.float32).reshape(1, _NB)


def _tc_final_kernel(h_ref, nllb_ref, out_ref):
    hs = jnp.sum(h_ref[...], axis=0)
    bg = hs[:_C]
    fgh = hs[_C:]
    n = _suffix_sum(bg + fgh)
    F = _suffix_sum(fgh)
    G = F[:, 0:1]
    denom = jnp.maximum(G + n - F, 1.0)
    J = 1.0 - (G - F) / denom
    delta = 1.0 / _NB
    loss_c = delta * (jnp.sum(J, axis=1, keepdims=True) - 0.5)
    pres = G > 0.0
    presf = pres.astype(jnp.float32)
    lov = jnp.sum(jnp.where(pres, loss_c, 0.0)) / jnp.sum(presf)

    S = jnp.sum(fgh * nllb_ref[...], axis=1, keepdims=True)
    inv = jnp.where(pres, float(_N) / jnp.maximum(G, 1.0), 0.0)
    w = inv / jnp.sum(inv)
    lwfull = jnp.where(pres, w, 1e-5)
    row0 = lax.broadcasted_iota(jnp.int32, (_C, 1), 0) == 0
    lw = jnp.where(row0, jnp.where(pres, 2.0 * w, 1e-5), lwfull)
    bce = jnp.sum(lw * S) / jnp.sum(lw * G)
    out_ref[...] = jnp.full((1, 1), 0.5 * bce + 0.5 * lov, jnp.float32)


def _tc_final(hists):
    return pl.pallas_call(
        _tc_final_kernel,
        out_shape=jax.ShapeDtypeStruct((1, 1), jnp.float32),
    )(hists, jnp.asarray(_NLL_BIN))


def kernel(predict, target):
    qarr = _tc_stats(predict, target)
    hists = _sc_hist(qarr.reshape(_NE))
    out = _tc_final(hists.reshape(2 * _NW, 2 * _C, _NB))
    return out.reshape(())

# --- scband reference (transcript-rebuilt; emitter-appended) ---
"""Pipeline reference for scband-lovasz-softmax-bce-85933705658476 (READ-ONLY COPY).

The authoritative reference and input builder live on the scoring server;
editing this copy changes nothing except your own understanding.
"""

import jax, jax.numpy as jnp
import numpy as np


def _lovasz_grad(gt_sorted):
    gts = gt_sorted.sum()
    intersection = gts - jnp.cumsum(gt_sorted)
    union = gts + jnp.cumsum(1.0 - gt_sorted)
    jaccard = 1.0 - intersection / union
    if gt_sorted.shape[0] > 1:
        jaccard = jnp.concatenate([jaccard[:1], jaccard[1:] - jaccard[:-1]])
    return jaccard


def _forward(predict, target, ignore=-100, alpha=0.5):
    B, C, H, W = predict.shape
    flat_t = target.reshape(-1)
    numel = flat_t.shape[0]
    # BalancedCrossEntropyLoss: inverse class-ratio weights
    counts = jnp.bincount(flat_t, length=C)
    present = counts > 0
    inv_ratio = jnp.where(present, numel / jnp.maximum(counts, 1).astype(jnp.float32), 0.0)
    weight = inv_ratio / inv_ratio.sum()
    lossWeight = jnp.where(present, weight, 1e-05)
    lossWeight = lossWeight.at[0].set(jnp.where(present[0], 2.0 * weight[0], 1e-05))
    # weighted cross entropy (reduction='mean' -> sum(w*nll)/sum(w))
    logp = jax.nn.log_softmax(predict, axis=1)
    logp_flat = jnp.transpose(logp, (0, 2, 3, 1)).reshape(-1, C)
    nll = -jnp.take_along_axis(logp_flat, flat_t[:, None], axis=1)[:, 0]
    wpix = lossWeight[flat_t]
    valid = flat_t != ignore
    wpix = jnp.where(valid, wpix, 0.0)
    bce = jnp.sum(wpix * nll) / jnp.sum(wpix)
    # Lovasz-Softmax (classes='present', per_image=False)
    probas = jax.nn.softmax(predict, axis=1)
    pf = jnp.transpose(probas, (0, 2, 3, 1)).reshape(-1, C)
    valid_f = valid.astype(jnp.float32)
    loss_sum = 0.0
    n_present = 0.0
    for c in range(C):
        fg = jnp.where(valid, (flat_t == c).astype(jnp.float32), 0.0)
        class_pred = pf[:, c]
        errors = jnp.where(valid, jnp.abs(fg - class_pred), -1.0)
        perm = jnp.argsort(-errors)
        errors_sorted = jnp.take(errors, perm)
        fg_sorted = jnp.take(fg, perm)
        valid_sorted = jnp.take(valid_f, perm)
        loss_c = jnp.dot(errors_sorted * valid_sorted, _lovasz_grad(fg_sorted))
        present_c = fg.sum() > 0
        loss_sum = loss_sum + jnp.where(present_c, loss_c, 0.0)
        n_present = n_present + jnp.where(present_c, 1.0, 0.0)
    lov = loss_sum / n_present
    return alpha * bce + (1.0 - alpha) * lov


def setup_inputs(seed: int = 0) -> dict:
    key = jax.random.key(seed)
    k1, k2 = jax.random.split(key)
    predict = jax.random.normal(k1, (4, 21, 512, 512), dtype=jnp.float32)
    target = jax.random.randint(k2, (4, 512, 512), 0, 21, dtype=jnp.int32)
    return {"predict": predict, "target": target}


def reference(predict, target):
    return _forward(predict, target, ignore=-100, alpha=0.5)

if __name__ == "__main__":
    import jax
    _d = setup_inputs()
    print(jax.jit(kernel)(*tuple(_d.values())))

</pallas_src>

<mosaic_0001>
#map = affine_map<(d0, d1) -> (0)>
#map1 = affine_map<(d0, d1) -> (0, 0, 0)>
module attributes {stable_mosaic.version = 14 : i64} {
  func.func @_sc_hist(%arg0: i32, %arg1: i32, %arg2: memref<22020096xi32, #tpu.memory_space<hbm>>, %arg3: memref<32x2x43008xf32, #tpu.memory_space<hbm>>, %arg4: memref<16384xi32, #tpu.memory_space<vmem>>, %arg5: memref<16384xi32, #tpu.memory_space<vmem>>, %arg6: memref<43008xf32, #tpu.memory_space<vmem>>, %arg7: memref<43008xf32, #tpu.memory_space<vmem>>, %arg8: memref<!tpu.dma_semaphore, #tpu.memory_space<semaphore_mem>>) attributes {dimension_semantics = [#tpu.dimension_semantics<core_parallel>, #tpu.dimension_semantics<subcore_parallel>], iteration_bounds = array<i64: 2, 16>, scalar_prefetch = 0 : i64, scratch_operands = 5 : i64, tpu.core_type = #tpu.core_type<sc_vector_subcore>, window_params = [{transform_indices = #map}, {transform_indices = #map1}]} {
    %mul3A = arith.constant 2 : i32
    %mul3A_0 = arith.muli %arg1, %mul3A : i32
    %add3A = arith.addi %mul3A_0, %arg0 : i32
    %mul3A_1 = arith.constant 688128 : i32
    %mul3A_2 = arith.muli %add3A, %mul3A_1 : i32
    %broadcast_in_dim3A = arith.constant 0.000000e+00 : f32
    %broadcast_in_dim3A_3 = vector.broadcast %broadcast_in_dim3A : f32 to vector<16xf32>
    %broadcast_in_dim3A_4 = arith.constant 1.000000e+00 : f32
    %broadcast_in_dim3A_5 = vector.broadcast %broadcast_in_dim3A_4 : f32 to vector<16xf32>
    %scan3A = arith.constant 0 : i32
    %scan3A_6 = arith.constant 0 : i32
    %scan3A_7 = arith.constant 2688 : i32
    %scan3A_8 = arith.addi %scan3A_6, %scan3A_7 : i32
    %scan3A_9 = arith.constant 1 : i32
    scf.for %scan3A_19 = %scan3A_6 to %scan3A_8 step %scan3A_9  : i32 {
      %mul3A_20 = arith.constant 16 : i32
      %mul3A_21 = arith.muli %scan3A_19, %mul3A_20 : i32
      %swap3A = arith.index_cast %mul3A_21 : i32 to index
      %swap3A_22 = tpu.vector_load %arg6[%swap3A] {strides = array<i32>} : memref<43008xf32, #tpu.memory_space<vmem>>, vector<16xf32>,
      tpu.vector_store %arg6[%swap3A], %broadcast_in_dim3A_3 {strides = array<i32>} : memref<43008xf32, #tpu.memory_space<vmem>>, vector<16xf32>,
      %mul3A_23 = arith.constant 16 : i32
      %mul3A_24 = arith.muli %scan3A_19, %mul3A_23 : i32
      %swap3A_25 = arith.index_cast %mul3A_24 : i32 to index
      %swap3A_26 = tpu.vector_load %arg7[%swap3A_25] {strides = array<i32>} : memref<43008xf32, #tpu.memory_space<vmem>>, vector<16xf32>,
      tpu.vector_store %arg7[%swap3A_25], %broadcast_in_dim3A_3 {strides = array<i32>} : memref<43008xf32, #tpu.memory_space<vmem>>, vector<16xf32>,
    }
    %scan3A_10 = arith.constant 2688 : i32
    %dma_start3A = tpu.memref_slice %arg2[%mul3A_2] : memref<22020096xi32, #tpu.memory_space<hbm>> -> memref<16384xi32, #tpu.memory_space<hbm>>
    %dma_start3A_11 = tpu.memref_slice %arg2[%mul3A_2] : memref<22020096xi32, #tpu.memory_space<hbm>> -> memref<16384xi32, #tpu.memory_space<hbm>>
    tpu.enqueue_dma source(%dma_start3A_11 : memref<16384xi32, #tpu.memory_space<hbm>>) target(%arg4 : memref<16384xi32, #tpu.memory_space<vmem>>) target_semaphore(%arg8 : memref<!tpu.dma_semaphore, #tpu.memory_space<semaphore_mem>>)
    %scan3A_12 = arith.constant 0 : i32
    %scan3A_13 = arith.constant 0 : i32
    %scan3A_14 = arith.constant 21 : i32
    %scan3A_15 = arith.addi %scan3A_13, %scan3A_14 : i32
    %scan3A_16 = arith.constant 1 : i32
    scf.for %scan3A_19 = %scan3A_13 to %scan3A_15 step %scan3A_16  : i32 {
      %mul3A_20 = arith.constant 2 : i32
      %mul3A_21 = arith.muli %mul3A_20, %scan3A_19 : i32
      %dma_wait3A = tpu.memref_slice %arg2[%mul3A_2] : memref<22020096xi32, #tpu.memory_space<hbm>> -> memref<16384xi32, #tpu.memory_space<hbm>>
      %dma_wait3A_22 = tpu.memref_slice %arg2[%mul3A_2] : memref<22020096xi32, #tpu.memory_space<hbm>> -> memref<16384xi32, #tpu.memory_space<hbm>>
      tpu.wait_dma2 semaphore(%arg8 : memref<!tpu.dma_semaphore, #tpu.memory_space<semaphore_mem>>) src(%dma_wait3A_22 : memref<16384xi32, #tpu.memory_space<hbm>>) dst(%arg4 : memref<16384xi32, #tpu.memory_space<vmem>>)
      %add3A_23 = arith.constant 1 : i32
      %add3A_24 = arith.addi %mul3A_21, %add3A_23 : i32
      %mul3A_25 = arith.constant 16384 : i32
      %mul3A_26 = arith.muli %add3A_24, %mul3A_25 : i32
      %add3A_27 = arith.addi %mul3A_2, %mul3A_26 : i32
      %dma_start3A_28 = tpu.memref_slice %arg2[%add3A_27] : memref<22020096xi32, #tpu.memory_space<hbm>> -> memref<16384xi32, #tpu.memory_space<hbm>>
      %dma_start3A_29 = tpu.memref_slice %arg2[%add3A_27] : memref<22020096xi32, #tpu.memory_space<hbm>> -> memref<16384xi32, #tpu.memory_space<hbm>>
      tpu.enqueue_dma source(%dma_start3A_29 : memref<16384xi32, #tpu.memory_space<hbm>>) target(%arg5 : memref<16384xi32, #tpu.memory_space<vmem>>) target_semaphore(%arg8 : memref<!tpu.dma_semaphore, #tpu.memory_space<semaphore_mem>>)
      %scan3A_30 = arith.constant 0 : i32
      %scan3A_31 = arith.constant 0 : i32
      %scan3A_32 = arith.constant 64 : i32
      %scan3A_33 = arith.addi %scan3A_31, %scan3A_32 : i32
      %scan3A_34 = arith.constant 1 : i32
      scf.for %scan3A_48 = %scan3A_31 to %scan3A_33 step %scan3A_34  : i32 {
        %mul3A_49 = arith.constant 256 : i32
        %mul3A_50 = arith.muli %scan3A_48, %mul3A_49 : i32
        %add3A_51 = arith.constant 0 : i32
        %add3A_52 = arith.addi %mul3A_50, %add3A_51 : i32
        %get3A = arith.index_cast %add3A_52 : i32 to index
        %get3A_53 = tpu.vector_load %arg4[%get3A] {strides = array<i32>} : memref<16384xi32, #tpu.memory_space<vmem>>, vector<16xi32>,
        %mul3A_54 = arith.constant 256 : i32
        %mul3A_55 = arith.muli %scan3A_48, %mul3A_54 : i32
        %add3A_56 = arith.constant 16 : i32
        %add3A_57 = arith.addi %mul3A_55, %add3A_56 : i32
        %get3A_58 = arith.index_cast %add3A_57 : i32 to index
        %get3A_59 = tpu.vector_load %arg4[%get3A_58] {strides = array<i32>} : memref<16384xi32, #tpu.memory_space<vmem>>, vector<16xi32>,
        %mul3A_60 = arith.constant 256 : i32
        %mul3A_61 = arith.muli %scan3A_48, %mul3A_60 : i32
        %add3A_62 = arith.constant 32 : i32
        %add3A_63 = arith.addi %mul3A_61, %add3A_62 : i32
        %get3A_64 = arith.index_cast %add3A_63 : i32 to index
        %get3A_65 = tpu.vector_load %arg4[%get3A_64] {strides = array<i32>} : memref<16384xi32, #tpu.memory_space<vmem>>, vector<16xi32>,
        %mul3A_66 = arith.constant 256 : i32
        %mul3A_67 = arith.muli %scan3A_48, %mul3A_66 : i32
        %add3A_68 = arith.constant 48 : i32
        %add3A_69 = arith.addi %mul3A_67, %add3A_68 : i32
        %get3A_70 = arith.index_cast %add3A_69 : i32 to index
        %get3A_71 = tpu.vector_load %arg4[%get3A_70] {strides = array<i32>} : memref<16384xi32, #tpu.memory_space<vmem>>, vector<16xi32>,
        %mul3A_72 = arith.constant 256 : i32
        %mul3A_73 = arith.muli %scan3A_48, %mul3A_72 : i32
        %add3A_74 = arith.constant 64 : i32
        %add3A_75 = arith.addi %mul3A_73, %add3A_74 : i32
        %get3A_76 = arith.index_cast %add3A_75 : i32 to index
        %get3A_77 = tpu.vector_load %arg4[%get3A_76] {strides = array<i32>} : memref<16384xi32, #tpu.memory_space<vmem>>, vector<16xi32>,
        %mul3A_78 = arith.constant 256 : i32
        %mul3A_79 = arith.muli %scan3A_48, %mul3A_78 : i32
        %add3A_80 = arith.constant 80 : i32
        %add3A_81 = arith.addi %mul3A_79, %add3A_80 : i32
        %get3A_82 = arith.index_cast %add3A_81 : i32 to index
        %get3A_83 = tpu.vector_load %arg4[%get3A_82] {strides = array<i32>} : memref<16384xi32, #tpu.memory_space<vmem>>, vector<16xi32>,
        %mul3A_84 = arith.constant 256 : i32
        %mul3A_85 = arith.muli %scan3A_48, %mul3A_84 : i32
        %add3A_86 = arith.constant 96 : i32
        %add3A_87 = arith.addi %mul3A_85, %add3A_86 : i32
        %get3A_88 = arith.index_cast %add3A_87 : i32 to index
        %get3A_89 = tpu.vector_load %arg4[%get3A_88] {strides = array<i32>} : memref<16384xi32, #tpu.memory_space<vmem>>, vector<16xi32>,
        %mul3A_90 = arith.constant 256 : i32
        %mul3A_91 = arith.muli %scan3A_48, %mul3A_90 : i32
        %add3A_92 = arith.constant 112 : i32
        %add3A_93 = arith.addi %mul3A_91, %add3A_92 : i32
        %get3A_94 = arith.index_cast %add3A_93 : i32 to index
        %get3A_95 = tpu.vector_load %arg4[%get3A_94] {strides = array<i32>} : memref<16384xi32, #tpu.memory_space<vmem>>, vector<16xi32>,
        %mul3A_96 = arith.constant 256 : i32
        %mul3A_97 = arith.muli %scan3A_48, %mul3A_96 : i32
        %add3A_98 = arith.constant 128 : i32
        %add3A_99 = arith.addi %mul3A_97, %add3A_98 : i32
        %get3A_100 = arith.index_cast %add3A_99 : i32 to index
        %get3A_101 = tpu.vector_load %arg4[%get3A_100] {strides = array<i32>} : memref<16384xi32, #tpu.memory_space<vmem>>, vector<16xi32>,
        %mul3A_102 = arith.constant 256 : i32
        %mul3A_103 = arith.muli %scan3A_48, %mul3A_102 : i32
        %add3A_104 = arith.constant 144 : i32
        %add3A_105 = arith.addi %mul3A_103, %add3A_104 : i32
        %get3A_106 = arith.index_cast %add3A_105 : i32 to index
        %get3A_107 = tpu.vector_load %arg4[%get3A_106] {strides = array<i32>} : memref<16384xi32, #tpu.memory_space<vmem>>, vector<16xi32>,
        %mul3A_108 = arith.constant 256 : i32
        %mul3A_109 = arith.muli %scan3A_48, %mul3A_108 : i32
        %add3A_110 = arith.constant 160 : i32
        %add3A_111 = arith.addi %mul3A_109, %add3A_110 : i32
        %get3A_112 = arith.index_cast %add3A_111 : i32 to index
        %get3A_113 = tpu.vector_load %arg4[%get3A_112] {strides = array<i32>} : memref<16384xi32, #tpu.memory_space<vmem>>, vector<16xi32>,
        %mul3A_114 = arith.constant 256 : i32
        %mul3A_115 = arith.muli %scan3A_48, %mul3A_114 : i32
        %add3A_116 = arith.constant 176 : i32
        %add3A_117 = arith.addi %mul3A_115, %add3A_116 : i32
        %get3A_118 = arith.index_cast %add3A_117 : i32 to index
        %get3A_119 = tpu.vector_load %arg4[%get3A_118] {strides = array<i32>} : memref<16384xi32, #tpu.memory_space<vmem>>, vector<16xi32>,
        %mul3A_120 = arith.constant 256 : i32
        %mul3A_121 = arith.muli %scan3A_48, %mul3A_120 : i32
        %add3A_122 = arith.constant 192 : i32
        %add3A_123 = arith.addi %mul3A_121, %add3A_122 : i32
        %get3A_124 = arith.index_cast %add3A_123 : i32 to index
        %get3A_125 = tpu.vector_load %arg4[%get3A_124] {strides = array<i32>} : memref<16384xi32, #tpu.memory_space<vmem>>, vector<16xi32>,
        %mul3A_126 = arith.constant 256 : i32
        %mul3A_127 = arith.muli %scan3A_48, %mul3A_126 : i32
        %add3A_128 = arith.constant 208 : i32
        %add3A_129 = arith.addi %mul3A_127, %add3A_128 : i32
        %get3A_130 = arith.index_cast %add3A_129 : i32 to index
        %get3A_131 = tpu.vector_load %arg4[%get3A_130] {strides = array<i32>} : memref<16384xi32, #tpu.memory_space<vmem>>, vector<16xi32>,
        %mul3A_132 = arith.constant 256 : i32
        %mul3A_133 = arith.muli %scan3A_48, %mul3A_132 : i32
        %add3A_134 = arith.constant 224 : i32
        %add3A_135 = arith.addi %mul3A_133, %add3A_134 : i32
        %get3A_136 = arith.index_cast %add3A_135 : i32 to index
        %get3A_137 = tpu.vector_load %arg4[%get3A_136] {strides = array<i32>} : memref<16384xi32, #tpu.memory_space<vmem>>, vector<16xi32>,
        %mul3A_138 = arith.constant 256 : i32
        %mul3A_139 = arith.muli %scan3A_48, %mul3A_138 : i32
        %add3A_140 = arith.constant 240 : i32
        %add3A_141 = arith.addi %mul3A_139, %add3A_140 : i32
        %get3A_142 = arith.index_cast %add3A_141 : i32 to index
        %get3A_143 = tpu.vector_load %arg4[%get3A_142] {strides = array<i32>} : memref<16384xi32, #tpu.memory_space<vmem>>, vector<16xi32>,
        tpu.vector_store_idx %arg6[%get3A_53], %broadcast_in_dim3A_5 {add = true} : memref<43008xf32, #tpu.memory_space<vmem>>[vector<16xi32>], vector<16xf32>,
        tpu.vector_store_idx %arg7[%get3A_59], %broadcast_in_dim3A_5 {add = true} : memref<43008xf32, #tpu.memory_space<vmem>>[vector<16xi32>], vector<16xf32>,
        tpu.vector_store_idx %arg6[%get3A_65], %broadcast_in_dim3A_5 {add = true} : memref<43008xf32, #tpu.memory_space<vmem>>[vector<16xi32>], vector<16xf32>,
        tpu.vector_store_idx %arg7[%get3A_71], %broadcast_in_dim3A_5 {add = true} : memref<43008xf32, #tpu.memory_space<vmem>>[vector<16xi32>], vector<16xf32>,
        tpu.vector_store_idx %arg6[%get3A_77], %broadcast_in_dim3A_5 {add = true} : memref<43008xf32, #tpu.memory_space<vmem>>[vector<16xi32>], vector<16xf32>,
        tpu.vector_store_idx %arg7[%get3A_83], %broadcast_in_dim3A_5 {add = true} : memref<43008xf32, #tpu.memory_space<vmem>>[vector<16xi32>], vector<16xf32>,
        tpu.vector_store_idx %arg6[%get3A_89], %broadcast_in_dim3A_5 {add = true} : memref<43008xf32, #tpu.memory_space<vmem>>[vector<16xi32>], vector<16xf32>,
        tpu.vector_store_idx %arg7[%get3A_95], %broadcast_in_dim3A_5 {add = true} : memref<43008xf32, #tpu.memory_space<vmem>>[vector<16xi32>], vector<16xf32>,
        tpu.vector_store_idx %arg6[%get3A_101], %broadcast_in_dim3A_5 {add = true} : memref<43008xf32, #tpu.memory_space<vmem>>[vector<16xi32>], vector<16xf32>,
        tpu.vector_store_idx %arg7[%get3A_107], %broadcast_in_dim3A_5 {add = true} : memref<43008xf32, #tpu.memory_space<vmem>>[vector<16xi32>], vector<16xf32>,
        tpu.vector_store_idx %arg6[%get3A_113], %broadcast_in_dim3A_5 {add = true} : memref<43008xf32, #tpu.memory_space<vmem>>[vector<16xi32>], vector<16xf32>,
        tpu.vector_store_idx %arg7[%get3A_119], %broadcast_in_dim3A_5 {add = true} : memref<43008xf32, #tpu.memory_space<vmem>>[vector<16xi32>], vector<16xf32>,
        tpu.vector_store_idx %arg6[%get3A_125], %broadcast_in_dim3A_5 {add = true} : memref<43008xf32, #tpu.memory_space<vmem>>[vector<16xi32>], vector<16xf32>,
        tpu.vector_store_idx %arg7[%get3A_131], %broadcast_in_dim3A_5 {add = true} : memref<43008xf32, #tpu.memory_space<vmem>>[vector<16xi32>], vector<16xf32>,
        tpu.vector_store_idx %arg6[%get3A_137], %broadcast_in_dim3A_5 {add = true} : memref<43008xf32, #tpu.memory_space<vmem>>[vector<16xi32>], vector<16xf32>,
        tpu.vector_store_idx %arg7[%get3A_143], %broadcast_in_dim3A_5 {add = true} : memref<43008xf32, #tpu.memory_space<vmem>>[vector<16xi32>], vector<16xf32>,
      }
      %scan3A_35 = arith.constant 64 : i32
      %dma_wait3A_36 = tpu.memref_slice %arg2[%mul3A_2] : memref<22020096xi32, #tpu.memory_space<hbm>> -> memref<16384xi32, #tpu.memory_space<hbm>>
      %dma_wait3A_37 = tpu.memref_slice %arg2[%mul3A_2] : memref<22020096xi32, #tpu.memory_space<hbm>> -> memref<16384xi32, #tpu.memory_space<hbm>>
      tpu.wait_dma2 semaphore(%arg8 : memref<!tpu.dma_semaphore, #tpu.memory_space<semaphore_mem>>) src(%dma_wait3A_37 : memref<16384xi32, #tpu.memory_space<hbm>>) dst(%arg5 : memref<16384xi32, #tpu.memory_space<vmem>>)
      %add3A_38 = arith.constant 2 : i32
      %add3A_39 = arith.addi %mul3A_21, %add3A_38 : i32
      %lt3A = arith.constant 42 : i32
      %lt3A_40 = arith.cmpi slt, %add3A_39, %lt3A : i32
      %convert_element_type3A = arith.extui %lt3A_40 : i1 to i32
      %cond3A = arith.constant 0 : i32
      %cond3A_41 = arith.cmpi ne, %convert_element_type3A, %cond3A : i32
      scf.if %cond3A_41 {
        %add3A_48 = arith.constant 2 : i32
        %add3A_49 = arith.addi %mul3A_21, %add3A_48 : i32
        %mul3A_50 = arith.constant 16384 : i32
        %mul3A_51 = arith.muli %add3A_49, %mul3A_50 : i32
        %add3A_52 = arith.addi %mul3A_2, %mul3A_51 : i32
        %dma_start3A_53 = tpu.memref_slice %arg2[%add3A_52] : memref<22020096xi32, #tpu.memory_space<hbm>> -> memref<16384xi32, #tpu.memory_space<hbm>>
        %dma_start3A_54 = tpu.memref_slice %arg2[%add3A_52] : memref<22020096xi32, #tpu.memory_space<hbm>> -> memref<16384xi32, #tpu.memory_space<hbm>>
        tpu.enqueue_dma source(%dma_start3A_54 : memref<16384xi32, #tpu.memory_space<hbm>>) target(%arg4 : memref<16384xi32, #tpu.memory_space<vmem>>) target_semaphore(%arg8 : memref<!tpu.dma_semaphore, #tpu.memory_space<semaphore_mem>>)
      } else {
      }
      %scan3A_42 = arith.constant 0 : i32
      %scan3A_43 = arith.constant 0 : i32
      %scan3A_44 = arith.constant 64 : i32
      %scan3A_45 = arith.addi %scan3A_43, %scan3A_44 : i32
      %scan3A_46 = arith.constant 1 : i32
      scf.for %scan3A_48 = %scan3A_43 to %scan3A_45 step %scan3A_46  : i32 {
        %mul3A_49 = arith.constant 256 : i32
        %mul3A_50 = arith.muli %scan3A_48, %mul3A_49 : i32
        %add3A_51 = arith.constant 0 : i32
        %add3A_52 = arith.addi %mul3A_50, %add3A_51 : i32
        %get3A = arith.index_cast %add3A_52 : i32 to index
        %get3A_53 = tpu.vector_load %arg5[%get3A] {strides = array<i32>} : memref<16384xi32, #tpu.memory_space<vmem>>, vector<16xi32>,
        %mul3A_54 = arith.constant 256 : i32
        %mul3A_55 = arith.muli %scan3A_48, %mul3A_54 : i32
        %add3A_56 = arith.constant 16 : i32
        %add3A_57 = arith.addi %mul3A_55, %add3A_56 : i32
        %get3A_58 = arith.index_cast %add3A_57 : i32 to index
        %get3A_59 = tpu.vector_load %arg5[%get3A_58] {strides = array<i32>} : memref<16384xi32, #tpu.memory_space<vmem>>, vector<16xi32>,
        %mul3A_60 = arith.constant 256 : i32
        %mul3A_61 = arith.muli %scan3A_48, %mul3A_60 : i32
        %add3A_62 = arith.constant 32 : i32
        %add3A_63 = arith.addi %mul3A_61, %add3A_62 : i32
        %get3A_64 = arith.index_cast %add3A_63 : i32 to index
        %get3A_65 = tpu.vector_load %arg5[%get3A_64] {strides = array<i32>} : memref<16384xi32, #tpu.memory_space<vmem>>, vector<16xi32>,
        %mul3A_66 = arith.constant 256 : i32
        %mul3A_67 = arith.muli %scan3A_48, %mul3A_66 : i32
        %add3A_68 = arith.constant 48 : i32
        %add3A_69 = arith.addi %mul3A_67, %add3A_68 : i32
        %get3A_70 = arith.index_cast %add3A_69 : i32 to index
        %get3A_71 = tpu.vector_load %arg5[%get3A_70] {strides = array<i32>} : memref<16384xi32, #tpu.memory_space<vmem>>, vector<16xi32>,
        %mul3A_72 = arith.constant 256 : i32
        %mul3A_73 = arith.muli %scan3A_48, %mul3A_72 : i32
        %add3A_74 = arith.constant 64 : i32
        %add3A_75 = arith.addi %mul3A_73, %add3A_74 : i32
        %get3A_76 = arith.index_cast %add3A_75 : i32 to index
        %get3A_77 = tpu.vector_load %arg5[%get3A_76] {strides = array<i32>} : memref<16384xi32, #tpu.memory_space<vmem>>, vector<16xi32>,
        %mul3A_78 = arith.constant 256 : i32
        %mul3A_79 = arith.muli %scan3A_48, %mul3A_78 : i32
        %add3A_80 = arith.constant 80 : i32
        %add3A_81 = arith.addi %mul3A_79, %add3A_80 : i32
        %get3A_82 = arith.index_cast %add3A_81 : i32 to index
        %get3A_83 = tpu.vector_load %arg5[%get3A_82] {strides = array<i32>} : memref<16384xi32, #tpu.memory_space<vmem>>, vector<16xi32>,
        %mul3A_84 = arith.constant 256 : i32
        %mul3A_85 = arith.muli %scan3A_48, %mul3A_84 : i32
        %add3A_86 = arith.constant 96 : i32
        %add3A_87 = arith.addi %mul3A_85, %add3A_86 : i32
        %get3A_88 = arith.index_cast %add3A_87 : i32 to index
        %get3A_89 = tpu.vector_load %arg5[%get3A_88] {strides = array<i32>} : memref<16384xi32, #tpu.memory_space<vmem>>, vector<16xi32>,
        %mul3A_90 = arith.constant 256 : i32
        %mul3A_91 = arith.muli %scan3A_48, %mul3A_90 : i32
        %add3A_92 = arith.constant 112 : i32
        %add3A_93 = arith.addi %mul3A_91, %add3A_92 : i32
        %get3A_94 = arith.index_cast %add3A_93 : i32 to index
        %get3A_95 = tpu.vector_load %arg5[%get3A_94] {strides = array<i32>} : memref<16384xi32, #tpu.memory_space<vmem>>, vector<16xi32>,
        %mul3A_96 = arith.constant 256 : i32
        %mul3A_97 = arith.muli %scan3A_48, %mul3A_96 : i32
        %add3A_98 = arith.constant 128 : i32
        %add3A_99 = arith.addi %mul3A_97, %add3A_98 : i32
        %get3A_100 = arith.index_cast %add3A_99 : i32 to index
        %get3A_101 = tpu.vector_load %arg5[%get3A_100] {strides = array<i32>} : memref<16384xi32, #tpu.memory_space<vmem>>, vector<16xi32>,
        %mul3A_102 = arith.constant 256 : i32
        %mul3A_103 = arith.muli %scan3A_48, %mul3A_102 : i32
        %add3A_104 = arith.constant 144 : i32
        %add3A_105 = arith.addi %mul3A_103, %add3A_104 : i32
        %get3A_106 = arith.index_cast %add3A_105 : i32 to index
        %get3A_107 = tpu.vector_load %arg5[%get3A_106] {strides = array<i32>} : memref<16384xi32, #tpu.memory_space<vmem>>, vector<16xi32>,
        %mul3A_108 = arith.constant 256 : i32
        %mul3A_109 = arith.muli %scan3A_48, %mul3A_108 : i32
        %add3A_110 = arith.constant 160 : i32
        %add3A_111 = arith.addi %mul3A_109, %add3A_110 : i32
        %get3A_112 = arith.index_cast %add3A_111 : i32 to index
        %get3A_113 = tpu.vector_load %arg5[%get3A_112] {strides = array<i32>} : memref<16384xi32, #tpu.memory_space<vmem>>, vector<16xi32>,
        %mul3A_114 = arith.constant 256 : i32
        %mul3A_115 = arith.muli %scan3A_48, %mul3A_114 : i32
        %add3A_116 = arith.constant 176 : i32
        %add3A_117 = arith.addi %mul3A_115, %add3A_116 : i32
        %get3A_118 = arith.index_cast %add3A_117 : i32 to index
        %get3A_119 = tpu.vector_load %arg5[%get3A_118] {strides = array<i32>} : memref<16384xi32, #tpu.memory_space<vmem>>, vector<16xi32>,
        %mul3A_120 = arith.constant 256 : i32
        %mul3A_121 = arith.muli %scan3A_48, %mul3A_120 : i32
        %add3A_122 = arith.constant 192 : i32
        %add3A_123 = arith.addi %mul3A_121, %add3A_122 : i32
        %get3A_124 = arith.index_cast %add3A_123 : i32 to index
        %get3A_125 = tpu.vector_load %arg5[%get3A_124] {strides = array<i32>} : memref<16384xi32, #tpu.memory_space<vmem>>, vector<16xi32>,
        %mul3A_126 = arith.constant 256 : i32
        %mul3A_127 = arith.muli %scan3A_48, %mul3A_126 : i32
        %add3A_128 = arith.constant 208 : i32
        %add3A_129 = arith.addi %mul3A_127, %add3A_128 : i32
        %get3A_130 = arith.index_cast %add3A_129 : i32 to index
        %get3A_131 = tpu.vector_load %arg5[%get3A_130] {strides = array<i32>} : memref<16384xi32, #tpu.memory_space<vmem>>, vector<16xi32>,
        %mul3A_132 = arith.constant 256 : i32
        %mul3A_133 = arith.muli %scan3A_48, %mul3A_132 : i32
        %add3A_134 = arith.constant 224 : i32
        %add3A_135 = arith.addi %mul3A_133, %add3A_134 : i32
        %get3A_136 = arith.index_cast %add3A_135 : i32 to index
        %get3A_137 = tpu.vector_load %arg5[%get3A_136] {strides = array<i32>} : memref<16384xi32, #tpu.memory_space<vmem>>, vector<16xi32>,
        %mul3A_138 = arith.constant 256 : i32
        %mul3A_139 = arith.muli %scan3A_48, %mul3A_138 : i32
        %add3A_140 = arith.constant 240 : i32
        %add3A_141 = arith.addi %mul3A_139, %add3A_140 : i32
        %get3A_142 = arith.index_cast %add3A_141 : i32 to index
        %get3A_143 = tpu.vector_load %arg5[%get3A_142] {strides = array<i32>} : memref<16384xi32, #tpu.memory_space<vmem>>, vector<16xi32>,
        tpu.vector_store_idx %arg6[%get3A_53], %broadcast_in_dim3A_5 {add = true} : memref<43008xf32, #tpu.memory_space<vmem>>[vector<16xi32>], vector<16xf32>,
        tpu.vector_store_idx %arg7[%get3A_59], %broadcast_in_dim3A_5 {add = true} : memref<43008xf32, #tpu.memory_space<vmem>>[vector<16xi32>], vector<16xf32>,
        tpu.vector_store_idx %arg6[%get3A_65], %broadcast_in_dim3A_5 {add = true} : memref<43008xf32, #tpu.memory_space<vmem>>[vector<16xi32>], vector<16xf32>,
        tpu.vector_store_idx %arg7[%get3A_71], %broadcast_in_dim3A_5 {add = true} : memref<43008xf32, #tpu.memory_space<vmem>>[vector<16xi32>], vector<16xf32>,
        tpu.vector_store_idx %arg6[%get3A_77], %broadcast_in_dim3A_5 {add = true} : memref<43008xf32, #tpu.memory_space<vmem>>[vector<16xi32>], vector<16xf32>,
        tpu.vector_store_idx %arg7[%get3A_83], %broadcast_in_dim3A_5 {add = true} : memref<43008xf32, #tpu.memory_space<vmem>>[vector<16xi32>], vector<16xf32>,
        tpu.vector_store_idx %arg6[%get3A_89], %broadcast_in_dim3A_5 {add = true} : memref<43008xf32, #tpu.memory_space<vmem>>[vector<16xi32>], vector<16xf32>,
        tpu.vector_store_idx %arg7[%get3A_95], %broadcast_in_dim3A_5 {add = true} : memref<43008xf32, #tpu.memory_space<vmem>>[vector<16xi32>], vector<16xf32>,
        tpu.vector_store_idx %arg6[%get3A_101], %broadcast_in_dim3A_5 {add = true} : memref<43008xf32, #tpu.memory_space<vmem>>[vector<16xi32>], vector<16xf32>,
        tpu.vector_store_idx %arg7[%get3A_107], %broadcast_in_dim3A_5 {add = true} : memref<43008xf32, #tpu.memory_space<vmem>>[vector<16xi32>], vector<16xf32>,
        tpu.vector_store_idx %arg6[%get3A_113], %broadcast_in_dim3A_5 {add = true} : memref<43008xf32, #tpu.memory_space<vmem>>[vector<16xi32>], vector<16xf32>,
        tpu.vector_store_idx %arg7[%get3A_119], %broadcast_in_dim3A_5 {add = true} : memref<43008xf32, #tpu.memory_space<vmem>>[vector<16xi32>], vector<16xf32>,
        tpu.vector_store_idx %arg6[%get3A_125], %broadcast_in_dim3A_5 {add = true} : memref<43008xf32, #tpu.memory_space<vmem>>[vector<16xi32>], vector<16xf32>,
        tpu.vector_store_idx %arg7[%get3A_131], %broadcast_in_dim3A_5 {add = true} : memref<43008xf32, #tpu.memory_space<vmem>>[vector<16xi32>], vector<16xf32>,
        tpu.vector_store_idx %arg6[%get3A_137], %broadcast_in_dim3A_5 {add = true} : memref<43008xf32, #tpu.memory_space<vmem>>[vector<16xi32>], vector<16xf32>,
        tpu.vector_store_idx %arg7[%get3A_143], %broadcast_in_dim3A_5 {add = true} : memref<43008xf32, #tpu.memory_space<vmem>>[vector<16xi32>], vector<16xf32>,
      }
      %scan3A_47 = arith.constant 64 : i32
    }
    %scan3A_17 = arith.constant 21 : i32
    %run_scoped3A = arith.constant 0 : i32
    "tpu.region"() ({
      %run_scoped3A_19 = tpu.sem_alloc : memref<!tpu.dma_semaphore, #tpu.memory_space<semaphore_mem>>
      %dma_start3A_20 = arith.constant 0 : i32
      %dma_start3A_21 = tpu.memref_slice %arg3[%add3A, %run_scoped3A, %dma_start3A_20] : memref<32x2x43008xf32, #tpu.memory_space<hbm>> -> memref<1x1x43008xf32, #tpu.memory_space<hbm>>
      %dma_start3A_22 = tpu.memref_squeeze %dma_start3A_21 : memref<1x1x43008xf32, #tpu.memory_space<hbm>> -> memref<43008xf32, #tpu.memory_space<hbm>>
      %dma_start3A_23 = arith.constant 0 : i32
      %dma_start3A_24 = tpu.memref_slice %arg3[%add3A, %run_scoped3A, %dma_start3A_23] : memref<32x2x43008xf32, #tpu.memory_space<hbm>> -> memref<1x1x43008xf32, #tpu.memory_space<hbm>>
      %dma_start3A_25 = tpu.memref_squeeze %dma_start3A_24 : memref<1x1x43008xf32, #tpu.memory_space<hbm>> -> memref<43008xf32, #tpu.memory_space<hbm>>
      tpu.enqueue_dma source(%arg6 : memref<43008xf32, #tpu.memory_space<vmem>>) target(%dma_start3A_25 : memref<43008xf32, #tpu.memory_space<hbm>>) target_semaphore(%run_scoped3A_19 : memref<!tpu.dma_semaphore, #tpu.memory_space<semaphore_mem>>)
      %dma_wait3A = arith.constant 0 : i32
      %dma_wait3A_26 = tpu.memref_slice %arg3[%add3A, %run_scoped3A, %dma_wait3A] : memref<32x2x43008xf32, #tpu.memory_space<hbm>> -> memref<1x1x43008xf32, #tpu.memory_space<hbm>>
      %dma_wait3A_27 = tpu.memref_squeeze %dma_wait3A_26 : memref<1x1x43008xf32, #tpu.memory_space<hbm>> -> memref<43008xf32, #tpu.memory_space<hbm>>
      %dma_wait3A_28 = arith.constant 0 : i32
      %dma_wait3A_29 = tpu.memref_slice %arg3[%add3A, %run_scoped3A, %dma_wait3A_28] : memref<32x2x43008xf32, #tpu.memory_space<hbm>> -> memref<1x1x43008xf32, #tpu.memory_space<hbm>>
      %dma_wait3A_30 = tpu.memref_squeeze %dma_wait3A_29 : memref<1x1x43008xf32, #tpu.memory_space<hbm>> -> memref<43008xf32, #tpu.memory_space<hbm>>
      tpu.wait_dma2 semaphore(%run_scoped3A_19 : memref<!tpu.dma_semaphore, #tpu.memory_space<semaphore_mem>>) src(%arg6 : memref<43008xf32, #tpu.memory_space<vmem>>) dst(%dma_wait3A_30 : memref<43008xf32, #tpu.memory_space<hbm>>)
      tpu.yield
    }) : () -> ()
    %run_scoped3A_18 = arith.constant 1 : i32
    "tpu.region"() ({
      %run_scoped3A_19 = tpu.sem_alloc : memref<!tpu.dma_semaphore, #tpu.memory_space<semaphore_mem>>
      %dma_start3A_20 = arith.constant 0 : i32
      %dma_start3A_21 = tpu.memref_slice %arg3[%add3A, %run_scoped3A_18, %dma_start3A_20] : memref<32x2x43008xf32, #tpu.memory_space<hbm>> -> memref<1x1x43008xf32, #tpu.memory_space<hbm>>
      %dma_start3A_22 = tpu.memref_squeeze %dma_start3A_21 : memref<1x1x43008xf32, #tpu.memory_space<hbm>> -> memref<43008xf32, #tpu.memory_space<hbm>>
      %dma_start3A_23 = arith.constant 0 : i32
      %dma_start3A_24 = tpu.memref_slice %arg3[%add3A, %run_scoped3A_18, %dma_start3A_23] : memref<32x2x43008xf32, #tpu.memory_space<hbm>> -> memref<1x1x43008xf32, #tpu.memory_space<hbm>>
      %dma_start3A_25 = tpu.memref_squeeze %dma_start3A_24 : memref<1x1x43008xf32, #tpu.memory_space<hbm>> -> memref<43008xf32, #tpu.memory_space<hbm>>
      tpu.enqueue_dma source(%arg7 : memref<43008xf32, #tpu.memory_space<vmem>>) target(%dma_start3A_25 : memref<43008xf32, #tpu.memory_space<hbm>>) target_semaphore(%run_scoped3A_19 : memref<!tpu.dma_semaphore, #tpu.memory_space<semaphore_mem>>)
      %dma_wait3A = arith.constant 0 : i32
      %dma_wait3A_26 = tpu.memref_slice %arg3[%add3A, %run_scoped3A_18, %dma_wait3A] : memref<32x2x43008xf32, #tpu.memory_space<hbm>> -> memref<1x1x43008xf32, #tpu.memory_space<hbm>>
      %dma_wait3A_27 = tpu.memref_squeeze %dma_wait3A_26 : memref<1x1x43008xf32, #tpu.memory_space<hbm>> -> memref<43008xf32, #tpu.memory_space<hbm>>
      %dma_wait3A_28 = arith.constant 0 : i32
      %dma_wait3A_29 = tpu.memref_slice %arg3[%add3A, %run_scoped3A_18, %dma_wait3A_28] : memref<32x2x43008xf32, #tpu.memory_space<hbm>> -> memref<1x1x43008xf32, #tpu.memory_space<hbm>>
      %dma_wait3A_30 = tpu.memref_squeeze %dma_wait3A_29 : memref<1x1x43008xf32, #tpu.memory_space<hbm>> -> memref<43008xf32, #tpu.memory_space<hbm>>
      tpu.wait_dma2 semaphore(%run_scoped3A_19 : memref<!tpu.dma_semaphore, #tpu.memory_space<semaphore_mem>>) src(%arg7 : memref<43008xf32, #tpu.memory_space<vmem>>) dst(%dma_wait3A_30 : memref<43008xf32, #tpu.memory_space<hbm>>)
      tpu.yield
    }) : () -> ()
    return
  }
}

module attributes {stable_mosaic.version = 14 : i64} {
  func.func @_tc_stats_kernel(%arg0: i32, %arg1: i32, %arg2: memref<1x21x64x512xf32, #tpu.memory_space<vmem>>, %arg3: memref<1x64x512xi32, #tpu.memory_space<vmem>>, %arg4: memref<1x21x256x128xi32, #tpu.memory_space<vmem>>, %arg5: memref<21x64x512xf32, #tpu.memory_space<vmem>>) attributes {dimension_semantics = [#tpu.dimension_semantics<arbitrary>, #tpu.dimension_semantics<arbitrary>], iteration_bounds = array<i64: 4, 8>, scalar_prefetch = 0 : i64, scratch_operands = 1 : i64, tpu.core_type = #tpu.core_type<tc>, window_params = [{transform_indices = @transform_0, window_bounds = array<i64: 1, 21, 64, 512>}, {transform_indices = @transform_1, window_bounds = array<i64: 1, 64, 512>}, {transform_indices = @transform_2, window_bounds = array<i64: 1, 21, 256, 128>}]} {
    %get3A = arith.constant 0 : index
    %get3A_0 = arith.constant 0 : index
    %get3A_1 = arith.constant 0 : index
    %get3A_2 = vector.load %arg3[%get3A, %get3A_0, %get3A_1] : memref<1x64x512xi32, #tpu.memory_space<vmem>>, vector<1x64x512xi32>
    %get3A_3 = vector.shape_cast %get3A_2 : vector<1x64x512xi32> to vector<64x512xi32>
    %get3A_4 = arith.constant 0 : index
    %get3A_5 = arith.constant 0 : index
    %get3A_6 = arith.constant 0 : index
    %get3A_7 = arith.constant 0 : index
    %get3A_8 = vector.load %arg2[%get3A_4, %get3A_5, %get3A_6, %get3A_7] : memref<1x21x64x512xf32, #tpu.memory_space<vmem>>, vector<1x1x64x512xf32>
    %get3A_9 = vector.shape_cast %get3A_8 : vector<1x1x64x512xf32> to vector<64x512xf32>
    %get3A_10 = arith.constant 0 : index
    %get3A_11 = arith.constant 1 : index
    %get3A_12 = arith.constant 0 : index
    %get3A_13 = arith.constant 0 : index
    %get3A_14 = vector.load %arg2[%get3A_10, %get3A_11, %get3A_12, %get3A_13] : memref<1x21x64x512xf32, #tpu.memory_space<vmem>>, vector<1x1x64x512xf32>
    %get3A_15 = vector.shape_cast %get3A_14 : vector<1x1x64x512xf32> to vector<64x512xf32>
    %max3A = arith.maximumf %get3A_9, %get3A_15 : vector<64x512xf32>
    %get3A_16 = arith.constant 0 : index
    %get3A_17 = arith.constant 2 : index
    %get3A_18 = arith.constant 0 : index
    %get3A_19 = arith.constant 0 : index
    %get3A_20 = vector.load %arg2[%get3A_16, %get3A_17, %get3A_18, %get3A_19] : memref<1x21x64x512xf32, #tpu.memory_space<vmem>>, vector<1x1x64x512xf32>
    %get3A_21 = vector.shape_cast %get3A_20 : vector<1x1x64x512xf32> to vector<64x512xf32>
    %max3A_22 = arith.maximumf %max3A, %get3A_21 : vector<64x512xf32>
    %get3A_23 = arith.constant 0 : index
    %get3A_24 = arith.constant 3 : index
    %get3A_25 = arith.constant 0 : index
    %get3A_26 = arith.constant 0 : index
    %get3A_27 = vector.load %arg2[%get3A_23, %get3A_24, %get3A_25, %get3A_26] : memref<1x21x64x512xf32, #tpu.memory_space<vmem>>, vector<1x1x64x512xf32>
    %get3A_28 = vector.shape_cast %get3A_27 : vector<1x1x64x512xf32> to vector<64x512xf32>
    %max3A_29 = arith.maximumf %max3A_22, %get3A_28 : vector<64x512xf32>
    %get3A_30 = arith.constant 0 : index
    %get3A_31 = arith.constant 4 : index
    %get3A_32 = arith.constant 0 : index
    %get3A_33 = arith.constant 0 : index
    %get3A_34 = vector.load %arg2[%get3A_30, %get3A_31, %get3A_32, %get3A_33] : memref<1x21x64x512xf32, #tpu.memory_space<vmem>>, vector<1x1x64x512xf32>
    %get3A_35 = vector.shape_cast %get3A_34 : vector<1x1x64x512xf32> to vector<64x512xf32>
    %max3A_36 = arith.maximumf %max3A_29, %get3A_35 : vector<64x512xf32>
    %get3A_37 = arith.constant 0 : index
    %get3A_38 = arith.constant 5 : index
    %get3A_39 = arith.constant 0 : index
    %get3A_40 = arith.constant 0 : index
    %get3A_41 = vector.load %arg2[%get3A_37, %get3A_38, %get3A_39, %get3A_40] : memref<1x21x64x512xf32, #tpu.memory_space<vmem>>, vector<1x1x64x512xf32>
    %get3A_42 = vector.shape_cast %get3A_41 : vector<1x1x64x512xf32> to vector<64x512xf32>
    %max3A_43 = arith.maximumf %max3A_36, %get3A_42 : vector<64x512xf32>
    %get3A_44 = arith.constant 0 : index
    %get3A_45 = arith.constant 6 : index
    %get3A_46 = arith.constant 0 : index
    %get3A_47 = arith.constant 0 : index
    %get3A_48 = vector.load %arg2[%get3A_44, %get3A_45, %get3A_46, %get3A_47] : memref<1x21x64x512xf32, #tpu.memory_space<vmem>>, vector<1x1x64x512xf32>
    %get3A_49 = vector.shape_cast %get3A_48 : vector<1x1x64x512xf32> to vector<64x512xf32>
    %max3A_50 = arith.maximumf %max3A_43, %get3A_49 : vector<64x512xf32>
    %get3A_51 = arith.constant 0 : index
    %get3A_52 = arith.constant 7 : index
    %get3A_53 = arith.constant 0 : index
    %get3A_54 = arith.constant 0 : index
    %get3A_55 = vector.load %arg2[%get3A_51, %get3A_52, %get3A_53, %get3A_54] : memref<1x21x64x512xf32, #tpu.memory_space<vmem>>, vector<1x1x64x512xf32>
    %get3A_56 = vector.shape_cast %get3A_55 : vector<1x1x64x512xf32> to vector<64x512xf32>
    %max3A_57 = arith.maximumf %max3A_50, %get3A_56 : vector<64x512xf32>
    %get3A_58 = arith.constant 0 : index
    %get3A_59 = arith.constant 8 : index
    %get3A_60 = arith.constant 0 : index
    %get3A_61 = arith.constant 0 : index
    %get3A_62 = vector.load %arg2[%get3A_58, %get3A_59, %get3A_60, %get3A_61] : memref<1x21x64x512xf32, #tpu.memory_space<vmem>>, vector<1x1x64x512xf32>
    %get3A_63 = vector.shape_cast %get3A_62 : vector<1x1x64x512xf32> to vector<64x512xf32>
    %max3A_64 = arith.maximumf %max3A_57, %get3A_63 : vector<64x512xf32>
    %get3A_65 = arith.constant 0 : index
    %get3A_66 = arith.constant 9 : index
    %get3A_67 = arith.constant 0 : index
    %get3A_68 = arith.constant 0 : index
    %get3A_69 = vector.load %arg2[%get3A_65, %get3A_66, %get3A_67, %get3A_68] : memref<1x21x64x512xf32, #tpu.memory_space<vmem>>, vector<1x1x64x512xf32>
    %get3A_70 = vector.shape_cast %get3A_69 : vector<1x1x64x512xf32> to vector<64x512xf32>
    %max3A_71 = arith.maximumf %max3A_64, %get3A_70 : vector<64x512xf32>
    %get3A_72 = arith.constant 0 : index
    %get3A_73 = arith.constant 10 : index
    %get3A_74 = arith.constant 0 : index
    %get3A_75 = arith.constant 0 : index
    %get3A_76 = vector.load %arg2[%get3A_72, %get3A_73, %get3A_74, %get3A_75] : memref<1x21x64x512xf32, #tpu.memory_space<vmem>>, vector<1x1x64x512xf32>
    %get3A_77 = vector.shape_cast %get3A_76 : vector<1x1x64x512xf32> to vector<64x512xf32>
    %max3A_78 = arith.maximumf %max3A_71, %get3A_77 : vector<64x512xf32>
    %get3A_79 = arith.constant 0 : index
    %get3A_80 = arith.constant 11 : index
    %get3A_81 = arith.constant 0 : index
    %get3A_82 = arith.constant 0 : index
    %get3A_83 = vector.load %arg2[%get3A_79, %get3A_80, %get3A_81, %get3A_82] : memref<1x21x64x512xf32, #tpu.memory_space<vmem>>, vector<1x1x64x512xf32>
    %get3A_84 = vector.shape_cast %get3A_83 : vector<1x1x64x512xf32> to vector<64x512xf32>
    %max3A_85 = arith.maximumf %max3A_78, %get3A_84 : vector<64x512xf32>
    %get3A_86 = arith.constant 0 : index
    %get3A_87 = arith.constant 12 : index
    %get3A_88 = arith.constant 0 : index
    %get3A_89 = arith.constant 0 : index
    %get3A_90 = vector.load %arg2[%get3A_86, %get3A_87, %get3A_88, %get3A_89] : memref<1x21x64x512xf32, #tpu.memory_space<vmem>>, vector<1x1x64x512xf32>
    %get3A_91 = vector.shape_cast %get3A_90 : vector<1x1x64x512xf32> to vector<64x512xf32>
    %max3A_92 = arith.maximumf %max3A_85, %get3A_91 : vector<64x512xf32>
    %get3A_93 = arith.constant 0 : index
    %get3A_94 = arith.constant 13 : index
    %get3A_95 = arith.constant 0 : index
    %get3A_96 = arith.constant 0 : index
    %get3A_97 = vector.load %arg2[%get3A_93, %get3A_94, %get3A_95, %get3A_96] : memref<1x21x64x512xf32, #tpu.memory_space<vmem>>, vector<1x1x64x512xf32>
    %get3A_98 = vector.shape_cast %get3A_97 : vector<1x1x64x512xf32> to vector<64x512xf32>
    %max3A_99 = arith.maximumf %max3A_92, %get3A_98 : vector<64x512xf32>
    %get3A_100 = arith.constant 0 : index
    %get3A_101 = arith.constant 14 : index
    %get3A_102 = arith.constant 0 : index
    %get3A_103 = arith.constant 0 : index
    %get3A_104 = vector.load %arg2[%get3A_100, %get3A_101, %get3A_102, %get3A_103] : memref<1x21x64x512xf32, #tpu.memory_space<vmem>>, vector<1x1x64x512xf32>
    %get3A_105 = vector.shape_cast %get3A_104 : vector<1x1x64x512xf32> to vector<64x512xf32>
    %max3A_106 = arith.maximumf %max3A_99, %get3A_105 : vector<64x512xf32>
    %get3A_107 = arith.constant 0 : index
    %get3A_108 = arith.constant 15 : index
    %get3A_109 = arith.constant 0 : index
    %get3A_110 = arith.constant 0 : index
    %get3A_111 = vector.load %arg2[%get3A_107, %get3A_108, %get3A_109, %get3A_110] : memref<1x21x64x512xf32, #tpu.memory_space<vmem>>, vector<1x1x64x512xf32>
    %get3A_112 = vector.shape_cast %get3A_111 : vector<1x1x64x512xf32> to vector<64x512xf32>
    %max3A_113 = arith.maximumf %max3A_106, %get3A_112 : vector<64x512xf32>
    %get3A_114 = arith.constant 0 : index
    %get3A_115 = arith.constant 16 : index
    %get3A_116 = arith.constant 0 : index
    %get3A_117 = arith.constant 0 : index
    %get3A_118 = vector.load %arg2[%get3A_114, %get3A_115, %get3A_116, %get3A_117] : memref<1x21x64x512xf32, #tpu.memory_space<vmem>>, vector<1x1x64x512xf32>
    %get3A_119 = vector.shape_cast %get3A_118 : vector<1x1x64x512xf32> to vector<64x512xf32>
    %max3A_120 = arith.maximumf %max3A_113, %get3A_119 : vector<64x512xf32>
    %get3A_121 = arith.constant 0 : index
    %get3A_122 = arith.constant 17 : index
    %get3A_123 = arith.constant 0 : index
    %get3A_124 = arith.constant 0 : index
    %get3A_125 = vector.load %arg2[%get3A_121, %get3A_122, %get3A_123, %get3A_124] : memref<1x21x64x512xf32, #tpu.memory_space<vmem>>, vector<1x1x64x512xf32>
    %get3A_126 = vector.shape_cast %get3A_125 : vector<1x1x64x512xf32> to vector<64x512xf32>
    %max3A_127 = arith.maximumf %max3A_120, %get3A_126 : vector<64x512xf32>
    %get3A_128 = arith.constant 0 : index
    %get3A_129 = arith.constant 18 : index
    %get3A_130 = arith.constant 0 : index
    %get3A_131 = arith.constant 0 : index
    %get3A_132 = vector.load %arg2[%get3A_128, %get3A_129, %get3A_130, %get3A_131] : memref<1x21x64x512xf32, #tpu.memory_space<vmem>>, vector<1x1x64x512xf32>
    %get3A_133 = vector.shape_cast %get3A_132 : vector<1x1x64x512xf32> to vector<64x512xf32>
    %max3A_134 = arith.maximumf %max3A_127, %get3A_133 : vector<64x512xf32>
    %get3A_135 = arith.constant 0 : index
    %get3A_136 = arith.constant 19 : index
    %get3A_137 = arith.constant 0 : index
    %get3A_138 = arith.constant 0 : index
    %get3A_139 = vector.load %arg2[%get3A_135, %get3A_136, %get3A_137, %get3A_138] : memref<1x21x64x512xf32, #tpu.memory_space<vmem>>, vector<1x1x64x512xf32>
    %get3A_140 = vector.shape_cast %get3A_139 : vector<1x1x64x512xf32> to vector<64x512xf32>
    %max3A_141 = arith.maximumf %max3A_134, %get3A_140 : vector<64x512xf32>
    %get3A_142 = arith.constant 0 : index
    %get3A_143 = arith.constant 20 : index
    %get3A_144 = arith.constant 0 : index
    %get3A_145 = arith.constant 0 : index
    %get3A_146 = vector.load %arg2[%get3A_142, %get3A_143, %get3A_144, %get3A_145] : memref<1x21x64x512xf32, #tpu.memory_space<vmem>>, vector<1x1x64x512xf32>
    %get3A_147 = vector.shape_cast %get3A_146 : vector<1x1x64x512xf32> to vector<64x512xf32>
    %max3A_148 = arith.maximumf %max3A_141, %get3A_147 : vector<64x512xf32>
    %broadcast_in_dim3A = arith.constant 0.000000e+00 : f32
    %broadcast_in_dim3A_149 = vector.broadcast %broadcast_in_dim3A : f32 to vector<64x512xf32>
    %get3A_150 = arith.constant 0 : index
    %get3A_151 = arith.constant 0 : index
    %get3A_152 = arith.constant 0 : index
    %get3A_153 = arith.constant 0 : index
    %get3A_154 = vector.load %arg2[%get3A_150, %get3A_151, %get3A_152, %get3A_153] : memref<1x21x64x512xf32, #tpu.memory_space<vmem>>, vector<1x1x64x512xf32>
    %get3A_155 = vector.shape_cast %get3A_154 : vector<1x1x64x512xf32> to vector<64x512xf32>
    %sub3A = arith.subf %get3A_155, %max3A_148 : vector<64x512xf32>
    %exp3A = math.exp %sub3A : vector<64x512xf32>
    %swap3A = arith.constant 0 : index
    %swap3A_156 = arith.constant 0 : index
    %swap3A_157 = arith.constant 0 : index
    %swap3A_158 = vector.load %arg5[%swap3A, %swap3A_156, %swap3A_157] : memref<21x64x512xf32, #tpu.memory_space<vmem>>, vector<1x64x512xf32>
    %swap3A_159 = vector.shape_cast %swap3A_158 : vector<1x64x512xf32> to vector<64x512xf32>
    %swap3A_160 = vector.shape_cast %exp3A : vector<64x512xf32> to vector<1x64x512xf32>
    tpu.vector_store %arg5[%swap3A, %swap3A_156, %swap3A_157], %swap3A_160 {strides = array<i32>} : memref<21x64x512xf32, #tpu.memory_space<vmem>>, vector<1x64x512xf32>,
    %add3A = arith.addf %broadcast_in_dim3A_149, %exp3A : vector<64x512xf32>
    %get3A_161 = arith.constant 0 : index
    %get3A_162 = arith.constant 1 : index
    %get3A_163 = arith.constant 0 : index
    %get3A_164 = arith.constant 0 : index
    %get3A_165 = vector.load %arg2[%get3A_161, %get3A_162, %get3A_163, %get3A_164] : memref<1x21x64x512xf32, #tpu.memory_space<vmem>>, vector<1x1x64x512xf32>
    %get3A_166 = vector.shape_cast %get3A_165 : vector<1x1x64x512xf32> to vector<64x512xf32>
    %sub3A_167 = arith.subf %get3A_166, %max3A_148 : vector<64x512xf32>
    %exp3A_168 = math.exp %sub3A_167 : vector<64x512xf32>
    %swap3A_169 = arith.constant 1 : index
    %swap3A_170 = arith.constant 0 : index
    %swap3A_171 = arith.constant 0 : index
    %swap3A_172 = vector.load %arg5[%swap3A_169, %swap3A_170, %swap3A_171] : memref<21x64x512xf32, #tpu.memory_space<vmem>>, vector<1x64x512xf32>
    %swap3A_173 = vector.shape_cast %swap3A_172 : vector<1x64x512xf32> to vector<64x512xf32>
    %swap3A_174 = vector.shape_cast %exp3A_168 : vector<64x512xf32> to vector<1x64x512xf32>
    tpu.vector_store %arg5[%swap3A_169, %swap3A_170, %swap3A_171], %swap3A_174 {strides = array<i32>} : memref<21x64x512xf32, #tpu.memory_space<vmem>>, vector<1x64x512xf32>,
    %add3A_175 = arith.addf %add3A, %exp3A_168 : vector<64x512xf32>
    %get3A_176 = arith.constant 0 : index
    %get3A_177 = arith.constant 2 : index
    %get3A_178 = arith.constant 0 : index
    %get3A_179 = arith.constant 0 : index
    %get3A_180 = vector.load %arg2[%get3A_176, %get3A_177, %get3A_178, %get3A_179] : memref<1x21x64x512xf32, #tpu.memory_space<vmem>>, vector<1x1x64x512xf32>
    %get3A_181 = vector.shape_cast %get3A_180 : vector<1x1x64x512xf32> to vector<64x512xf32>
    %sub3A_182 = arith.subf %get3A_181, %max3A_148 : vector<64x512xf32>
    %exp3A_183 = math.exp %sub3A_182 : vector<64x512xf32>
    %swap3A_184 = arith.constant 2 : index
    %swap3A_185 = arith.constant 0 : index
    %swap3A_186 = arith.constant 0 : index
    %swap3A_187 = vector.load %arg5[%swap3A_184, %swap3A_185, %swap3A_186] : memref<21x64x512xf32, #tpu.memory_space<vmem>>, vector<1x64x512xf32>
    %swap3A_188 = vector.shape_cast %swap3A_187 : vector<1x64x512xf32> to vector<64x512xf32>
    %swap3A_189 = vector.shape_cast %exp3A_183 : vector<64x512xf32> to vector<1x64x512xf32>
    tpu.vector_store %arg5[%swap3A_184, %swap3A_185, %swap3A_186], %swap3A_189 {strides = array<i32>} : memref<21x64x512xf32, #tpu.memory_space<vmem>>, vector<1x64x512xf32>,
    %add3A_190 = arith.addf %add3A_175, %exp3A_183 : vector<64x512xf32>
    %get3A_191 = arith.constant 0 : index
    %get3A_192 = arith.constant 3 : index
    %get3A_193 = arith.constant 0 : index
    %get3A_194 = arith.constant 0 : index
    %get3A_195 = vector.load %arg2[%get3A_191, %get3A_192, %get3A_193, %get3A_194] : memref<1x21x64x512xf32, #tpu.memory_space<vmem>>, vector<1x1x64x512xf32>
    %get3A_196 = vector.shape_cast %get3A_195 : vector<1x1x64x512xf32> to vector<64x512xf32>
    %sub3A_197 = arith.subf %get3A_196, %max3A_148 : vector<64x512xf32>
    %exp3A_198 = math.exp %sub3A_197 : vector<64x512xf32>
    %swap3A_199 = arith.constant 3 : index
    %swap3A_200 = arith.constant 0 : index
    %swap3A_201 = arith.constant 0 : index
    %swap3A_202 = vector.load %arg5[%swap3A_199, %swap3A_200, %swap3A_201] : memref<21x64x512xf32, #tpu.memory_space<vmem>>, vector<1x64x512xf32>
    %swap3A_203 = vector.shape_cast %swap3A_202 : vector<1x64x512xf32> to vector<64x512xf32>
    %swap3A_204 = vector.shape_cast %exp3A_198 : vector<64x512xf32> to vector<1x64x512xf32>
    tpu.vector_store %arg5[%swap3A_199, %swap3A_200, %swap3A_201], %swap3A_204 {strides = array<i32>} : memref<21x64x512xf32, #tpu.memory_space<vmem>>, vector<1x64x512xf32>,
    %add3A_205 = arith.addf %add3A_190, %exp3A_198 : vector<64x512xf32>
    %get3A_206 = arith.constant 0 : index
    %get3A_207 = arith.constant 4 : index
    %get3A_208 = arith.constant 0 : index
    %get3A_209 = arith.constant 0 : index
    %get3A_210 = vector.load %arg2[%get3A_206, %get3A_207, %get3A_208, %get3A_209] : memref<1x21x64x512xf32, #tpu.memory_space<vmem>>, vector<1x1x64x512xf32>
    %get3A_211 = vector.shape_cast %get3A_210 : vector<1x1x64x512xf32> to vector<64x512xf32>
    %sub3A_212 = arith.subf %get3A_211, %max3A_148 : vector<64x512xf32>
    %exp3A_213 = math.exp %sub3A_212 : vector<64x512xf32>
    %swap3A_214 = arith.constant 4 : index
    %swap3A_215 = arith.constant 0 : index
    %swap3A_216 = arith.constant 0 : index
    %swap3A_217 = vector.load %arg5[%swap3A_214, %swap3A_215, %swap3A_216] : memref<21x64x512xf32, #tpu.memory_space<vmem>>, vector<1x64x512xf32>
    %swap3A_218 = vector.shape_cast %swap3A_217 : vector<1x64x512xf32> to vector<64x512xf32>
    %swap3A_219 = vector.shape_cast %exp3A_213 : vector<64x512xf32> to vector<1x64x512xf32>
    tpu.vector_store %arg5[%swap3A_214, %swap3A_215, %swap3A_216], %swap3A_219 {strides = array<i32>} : memref<21x64x512xf32, #tpu.memory_space<vmem>>, vector<1x64x512xf32>,
    %add3A_220 = arith.addf %add3A_205, %exp3A_213 : vector<64x512xf32>
    %get3A_221 = arith.constant 0 : index
    %get3A_222 = arith.constant 5 : index
    %get3A_223 = arith.constant 0 : index
    %get3A_224 = arith.constant 0 : index
    %get3A_225 = vector.load %arg2[%get3A_221, %get3A_222, %get3A_223, %get3A_224] : memref<1x21x64x512xf32, #tpu.memory_space<vmem>>, vector<1x1x64x512xf32>
    %get3A_226 = vector.shape_cast %get3A_225 : vector<1x1x64x512xf32> to vector<64x512xf32>
    %sub3A_227 = arith.subf %get3A_226, %max3A_148 : vector<64x512xf32>
    %exp3A_228 = math.exp %sub3A_227 : vector<64x512xf32>
    %swap3A_229 = arith.constant 5 : index
    %swap3A_230 = arith.constant 0 : index
    %swap3A_231 = arith.constant 0 : index
    %swap3A_232 = vector.load %arg5[%swap3A_229, %swap3A_230, %swap3A_231] : memref<21x64x512xf32, #tpu.memory_space<vmem>>, vector<1x64x512xf32>
    %swap3A_233 = vector.shape_cast %swap3A_232 : vector<1x64x512xf32> to vector<64x512xf32>
    %swap3A_234 = vector.shape_cast %exp3A_228 : vector<64x512xf32> to vector<1x64x512xf32>
    tpu.vector_store %arg5[%swap3A_229, %swap3A_230, %swap3A_231], %swap3A_234 {strides = array<i32>} : memref<21x64x512xf32, #tpu.memory_space<vmem>>, vector<1x64x512xf32>,
    %add3A_235 = arith.addf %add3A_220, %exp3A_228 : vector<64x512xf32>
    %get3A_236 = arith.constant 0 : index
    %get3A_237 = arith.constant 6 : index
    %get3A_238 = arith.constant 0 : index
    %get3A_239 = arith.constant 0 : index
    %get3A_240 = vector.load %arg2[%get3A_236, %get3A_237, %get3A_238, %get3A_239] : memref<1x21x64x512xf32, #tpu.memory_space<vmem>>, vector<1x1x64x512xf32>
    %get3A_241 = vector.shape_cast %get3A_240 : vector<1x1x64x512xf32> to vector<64x512xf32>
    %sub3A_242 = arith.subf %get3A_241, %max3A_148 : vector<64x512xf32>
    %exp3A_243 = math.exp %sub3A_242 : vector<64x512xf32>
    %swap3A_244 = arith.constant 6 : index
    %swap3A_245 = arith.constant 0 : index
    %swap3A_246 = arith.constant 0 : index
    %swap3A_247 = vector.load %arg5[%swap3A_244, %swap3A_245, %swap3A_246] : memref<21x64x512xf32, #tpu.memory_space<vmem>>, vector<1x64x512xf32>
    %swap3A_248 = vector.shape_cast %swap3A_247 : vector<1x64x512xf32> to vector<64x512xf32>
    %swap3A_249 = vector.shape_cast %exp3A_243 : vector<64x512xf32> to vector<1x64x512xf32>
    tpu.vector_store %arg5[%swap3A_244, %swap3A_245, %swap3A_246], %swap3A_249 {strides = array<i32>} : memref<21x64x512xf32, #tpu.memory_space<vmem>>, vector<1x64x512xf32>,
    %add3A_250 = arith.addf %add3A_235, %exp3A_243 : vector<64x512xf32>
    %get3A_251 = arith.constant 0 : index
    %get3A_252 = arith.constant 7 : index
    %get3A_253 = arith.constant 0 : index
    %get3A_254 = arith.constant 0 : index
    %get3A_255 = vector.load %arg2[%get3A_251, %get3A_252, %get3A_253, %get3A_254] : memref<1x21x64x512xf32, #tpu.memory_space<vmem>>, vector<1x1x64x512xf32>
    %get3A_256 = vector.shape_cast %get3A_255 : vector<1x1x64x512xf32> to vector<64x512xf32>
    %sub3A_257 = arith.subf %get3A_256, %max3A_148 : vector<64x512xf32>
    %exp3A_258 = math.exp %sub3A_257 : vector<64x512xf32>
    %swap3A_259 = arith.constant 7 : index
    %swap3A_260 = arith.constant 0 : index
    %swap3A_261 = arith.constant 0 : index
    %swap3A_262 = vector.load %arg5[%swap3A_259, %swap3A_260, %swap3A_261] : memref<21x64x512xf32, #tpu.memory_space<vmem>>, vector<1x64x512xf32>
    %swap3A_263 = vector.shape_cast %swap3A_262 : vector<1x64x512xf32> to vector<64x512xf32>
    %swap3A_264 = vector.shape_cast %exp3A_258 : vector<64x512xf32> to vector<1x64x512xf32>
    tpu.vector_store %arg5[%swap3A_259, %swap3A_260, %swap3A_261], %swap3A_264 {strides = array<i32>} : memref<21x64x512xf32, #tpu.memory_space<vmem>>, vector<1x64x512xf32>,
    %add3A_265 = arith.addf %add3A_250, %exp3A_258 : vector<64x512xf32>
    %get3A_266 = arith.constant 0 : index
    %get3A_267 = arith.constant 8 : index
    %get3A_268 = arith.constant 0 : index
    %get3A_269 = arith.constant 0 : index
    %get3A_270 = vector.load %arg2[%get3A_266, %get3A_267, %get3A_268, %get3A_269] : memref<1x21x64x512xf32, #tpu.memory_space<vmem>>, vector<1x1x64x512xf32>
    %get3A_271 = vector.shape_cast %get3A_270 : vector<1x1x64x512xf32> to vector<64x512xf32>
    %sub3A_272 = arith.subf %get3A_271, %max3A_148 : vector<64x512xf32>
    %exp3A_273 = math.exp %sub3A_272 : vector<64x512xf32>
    %swap3A_274 = arith.constant 8 : index
    %swap3A_275 = arith.constant 0 : index
    %swap3A_276 = arith.constant 0 : index
    %swap3A_277 = vector.load %arg5[%swap3A_274, %swap3A_275, %swap3A_276] : memref<21x64x512xf32, #tpu.memory_space<vmem>>, vector<1x64x512xf32>
    %swap3A_278 = vector.shape_cast %swap3A_277 : vector<1x64x512xf32> to vector<64x512xf32>
    %swap3A_279 = vector.shape_cast %exp3A_273 : vector<64x512xf32> to vector<1x64x512xf32>
    tpu.vector_store %arg5[%swap3A_274, %swap3A_275, %swap3A_276], %swap3A_279 {strides = array<i32>} : memref<21x64x512xf32, #tpu.memory_space<vmem>>, vector<1x64x512xf32>,
    %add3A_280 = arith.addf %add3A_265, %exp3A_273 : vector<64x512xf32>
    %get3A_281 = arith.constant 0 : index
    %get3A_282 = arith.constant 9 : index
    %get3A_283 = arith.constant 0 : index
    %get3A_284 = arith.constant 0 : index
    %get3A_285 = vector.load %arg2[%get3A_281, %get3A_282, %get3A_283, %get3A_284] : memref<1x21x64x512xf32, #tpu.memory_space<vmem>>, vector<1x1x64x512xf32>
    %get3A_286 = vector.shape_cast %get3A_285 : vector<1x1x64x512xf32> to vector<64x512xf32>
    %sub3A_287 = arith.subf %get3A_286, %max3A_148 : vector<64x512xf32>
    %exp3A_288 = math.exp %sub3A_287 : vector<64x512xf32>
    %swap3A_289 = arith.constant 9 : index
    %swap3A_290 = arith.constant 0 : index
    %swap3A_291 = arith.constant 0 : index
    %swap3A_292 = vector.load %arg5[%swap3A_289, %swap3A_290, %swap3A_291] : memref<21x64x512xf32, #tpu.memory_space<vmem>>, vector<1x64x512xf32>
    %swap3A_293 = vector.shape_cast %swap3A_292 : vector<1x64x512xf32> to vector<64x512xf32>
    %swap3A_294 = vector.shape_cast %exp3A_288 : vector<64x512xf32> to vector<1x64x512xf32>
    tpu.vector_store %arg5[%swap3A_289, %swap3A_290, %swap3A_291], %swap3A_294 {strides = array<i32>} : memref<21x64x512xf32, #tpu.memory_space<vmem>>, vector<1x64x512xf32>,
    %add3A_295 = arith.addf %add3A_280, %exp3A_288 : vector<64x512xf32>
    %get3A_296 = arith.constant 0 : index
    %get3A_297 = arith.constant 10 : index
    %get3A_298 = arith.constant 0 : index
    %get3A_299 = arith.constant 0 : index
    %get3A_300 = vector.load %arg2[%get3A_296, %get3A_297, %get3A_298, %get3A_299] : memref<1x21x64x512xf32, #tpu.memory_space<vmem>>, vector<1x1x64x512xf32>
    %get3A_301 = vector.shape_cast %get3A_300 : vector<1x1x64x512xf32> to vector<64x512xf32>
    %sub3A_302 = arith.subf %get3A_301, %max3A_148 : vector<64x512xf32>
    %exp3A_303 = math.exp %sub3A_302 : vector<64x512xf32>
    %swap3A_304 = arith.constant 10 : index
    %swap3A_305 = arith.constant 0 : index
    %swap3A_306 = arith.constant 0 : index
    %swap3A_307 = vector.load %arg5[%swap3A_304, %swap3A_305, %swap3A_306] : memref<21x64x512xf32, #tpu.memory_space<vmem>>, vector<1x64x512xf32>
    %swap3A_308 = vector.shape_cast %swap3A_307 : vector<1x64x512xf32> to vector<64x512xf32>
    %swap3A_309 = vector.shape_cast %exp3A_303 : vector<64x512xf32> to vector<1x64x512xf32>
    tpu.vector_store %arg5[%swap3A_304, %swap3A_305, %swap3A_306], %swap3A_309 {strides = array<i32>} : memref<21x64x512xf32, #tpu.memory_space<vmem>>, vector<1x64x512xf32>,
    %add3A_310 = arith.addf %add3A_295, %exp3A_303 : vector<64x512xf32>
    %get3A_311 = arith.constant 0 : index
    %get3A_312 = arith.constant 11 : index
    %get3A_313 = arith.constant 0 : index
    %get3A_314 = arith.constant 0 : index
    %get3A_315 = vector.load %arg2[%get3A_311, %get3A_312, %get3A_313, %get3A_314] : memref<1x21x64x512xf32, #tpu.memory_space<vmem>>, vector<1x1x64x512xf32>
    %get3A_316 = vector.shape_cast %get3A_315 : vector<1x1x64x512xf32> to vector<64x512xf32>
    %sub3A_317 = arith.subf %get3A_316, %max3A_148 : vector<64x512xf32>
    %exp3A_318 = math.exp %sub3A_317 : vector<64x512xf32>
    %swap3A_319 = arith.constant 11 : index
    %swap3A_320 = arith.constant 0 : index
    %swap3A_321 = arith.constant 0 : index
    %swap3A_322 = vector.load %arg5[%swap3A_319, %swap3A_320, %swap3A_321] : memref<21x64x512xf32, #tpu.memory_space<vmem>>, vector<1x64x512xf32>
    %swap3A_323 = vector.shape_cast %swap3A_322 : vector<1x64x512xf32> to vector<64x512xf32>
    %swap3A_324 = vector.shape_cast %exp3A_318 : vector<64x512xf32> to vector<1x64x512xf32>
    tpu.vector_store %arg5[%swap3A_319, %swap3A_320, %swap3A_321], %swap3A_324 {strides = array<i32>} : memref<21x64x512xf32, #tpu.memory_space<vmem>>, vector<1x64x512xf32>,
    %add3A_325 = arith.addf %add3A_310, %exp3A_318 : vector<64x512xf32>
    %get3A_326 = arith.constant 0 : index
    %get3A_327 = arith.constant 12 : index
    %get3A_328 = arith.constant 0 : index
    %get3A_329 = arith.constant 0 : index
    %get3A_330 = vector.load %arg2[%get3A_326, %get3A_327, %get3A_328, %get3A_329] : memref<1x21x64x512xf32, #tpu.memory_space<vmem>>, vector<1x1x64x512xf32>
    %get3A_331 = vector.shape_cast %get3A_330 : vector<1x1x64x512xf32> to vector<64x512xf32>
    %sub3A_332 = arith.subf %get3A_331, %max3A_148 : vector<64x512xf32>
    %exp3A_333 = math.exp %sub3A_332 : vector<64x512xf32>
    %swap3A_334 = arith.constant 12 : index
    %swap3A_335 = arith.constant 0 : index
    %swap3A_336 = arith.constant 0 : index
    %swap3A_337 = vector.load %arg5[%swap3A_334, %swap3A_335, %swap3A_336] : memref<21x64x512xf32, #tpu.memory_space<vmem>>, vector<1x64x512xf32>
    %swap3A_338 = vector.shape_cast %swap3A_337 : vector<1x64x512xf32> to vector<64x512xf32>
    %swap3A_339 = vector.shape_cast %exp3A_333 : vector<64x512xf32> to vector<1x64x512xf32>
    tpu.vector_store %arg5[%swap3A_334, %swap3A_335, %swap3A_336], %swap3A_339 {strides = array<i32>} : memref<21x64x512xf32, #tpu.memory_space<vmem>>, vector<1x64x512xf32>,
    %add3A_340 = arith.addf %add3A_325, %exp3A_333 : vector<64x512xf32>
    %get3A_341 = arith.constant 0 : index
    %get3A_342 = arith.constant 13 : index
    %get3A_343 = arith.constant 0 : index
    %get3A_344 = arith.constant 0 : index
    %get3A_345 = vector.load %arg2[%get3A_341, %get3A_342, %get3A_343, %get3A_344] : memref<1x21x64x512xf32, #tpu.memory_space<vmem>>, vector<1x1x64x512xf32>
    %get3A_346 = vector.shape_cast %get3A_345 : vector<1x1x64x512xf32> to vector<64x512xf32>
    %sub3A_347 = arith.subf %get3A_346, %max3A_148 : vector<64x512xf32>
    %exp3A_348 = math.exp %sub3A_347 : vector<64x512xf32>
    %swap3A_349 = arith.constant 13 : index
    %swap3A_350 = arith.constant 0 : index
    %swap3A_351 = arith.constant 0 : index
    %swap3A_352 = vector.load %arg5[%swap3A_349, %swap3A_350, %swap3A_351] : memref<21x64x512xf32, #tpu.memory_space<vmem>>, vector<1x64x512xf32>
    %swap3A_353 = vector.shape_cast %swap3A_352 : vector<1x64x512xf32> to vector<64x512xf32>
    %swap3A_354 = vector.shape_cast %exp3A_348 : vector<64x512xf32> to vector<1x64x512xf32>
    tpu.vector_store %arg5[%swap3A_349, %swap3A_350, %swap3A_351], %swap3A_354 {strides = array<i32>} : memref<21x64x512xf32, #tpu.memory_space<vmem>>, vector<1x64x512xf32>,
    %add3A_355 = arith.addf %add3A_340, %exp3A_348 : vector<64x512xf32>
    %get3A_356 = arith.constant 0 : index
    %get3A_357 = arith.constant 14 : index
    %get3A_358 = arith.constant 0 : index
    %get3A_359 = arith.constant 0 : index
    %get3A_360 = vector.load %arg2[%get3A_356, %get3A_357, %get3A_358, %get3A_359] : memref<1x21x64x512xf32, #tpu.memory_space<vmem>>, vector<1x1x64x512xf32>
    %get3A_361 = vector.shape_cast %get3A_360 : vector<1x1x64x512xf32> to vector<64x512xf32>
    %sub3A_362 = arith.subf %get3A_361, %max3A_148 : vector<64x512xf32>
    %exp3A_363 = math.exp %sub3A_362 : vector<64x512xf32>
    %swap3A_364 = arith.constant 14 : index
    %swap3A_365 = arith.constant 0 : index
    %swap3A_366 = arith.constant 0 : index
    %swap3A_367 = vector.load %arg5[%swap3A_364, %swap3A_365, %swap3A_366] : memref<21x64x512xf32, #tpu.memory_space<vmem>>, vector<1x64x512xf32>
    %swap3A_368 = vector.shape_cast %swap3A_367 : vector<1x64x512xf32> to vector<64x512xf32>
    %swap3A_369 = vector.shape_cast %exp3A_363 : vector<64x512xf32> to vector<1x64x512xf32>
    tpu.vector_store %arg5[%swap3A_364, %swap3A_365, %swap3A_366], %swap3A_369 {strides = array<i32>} : memref<21x64x512xf32, #tpu.memory_space<vmem>>, vector<1x64x512xf32>,
    %add3A_370 = arith.addf %add3A_355, %exp3A_363 : vector<64x512xf32>
    %get3A_371 = arith.constant 0 : index
    %get3A_372 = arith.constant 15 : index
    %get3A_373 = arith.constant 0 : index
    %get3A_374 = arith.constant 0 : index
    %get3A_375 = vector.load %arg2[%get3A_371, %get3A_372, %get3A_373, %get3A_374] : memref<1x21x64x512xf32, #tpu.memory_space<vmem>>, vector<1x1x64x512xf32>
    %get3A_376 = vector.shape_cast %get3A_375 : vector<1x1x64x512xf32> to vector<64x512xf32>
    %sub3A_377 = arith.subf %get3A_376, %max3A_148 : vector<64x512xf32>
    %exp3A_378 = math.exp %sub3A_377 : vector<64x512xf32>
    %swap3A_379 = arith.constant 15 : index
    %swap3A_380 = arith.constant 0 : index
    %swap3A_381 = arith.constant 0 : index
    %swap3A_382 = vector.load %arg5[%swap3A_379, %swap3A_380, %swap3A_381] : memref<21x64x512xf32, #tpu.memory_space<vmem>>, vector<1x64x512xf32>
    %swap3A_383 = vector.shape_cast %swap3A_382 : vector<1x64x512xf32> to vector<64x512xf32>
    %swap3A_384 = vector.shape_cast %exp3A_378 : vector<64x512xf32> to vector<1x64x512xf32>
    tpu.vector_store %arg5[%swap3A_379, %swap3A_380, %swap3A_381], %swap3A_384 {strides = array<i32>} : memref<21x64x512xf32, #tpu.memory_space<vmem>>, vector<1x64x512xf32>,
    %add3A_385 = arith.addf %add3A_370, %exp3A_378 : vector<64x512xf32>
    %get3A_386 = arith.constant 0 : index
    %get3A_387 = arith.constant 16 : index
    %get3A_388 = arith.constant 0 : index
    %get3A_389 = arith.constant 0 : index
    %get3A_390 = vector.load %arg2[%get3A_386, %get3A_387, %get3A_388, %get3A_389] : memref<1x21x64x512xf32, #tpu.memory_space<vmem>>, vector<1x1x64x512xf32>
    %get3A_391 = vector.shape_cast %get3A_390 : vector<1x1x64x512xf32> to vector<64x512xf32>
    %sub3A_392 = arith.subf %get3A_391, %max3A_148 : vector<64x512xf32>
    %exp3A_393 = math.exp %sub3A_392 : vector<64x512xf32>
    %swap3A_394 = arith.constant 16 : index
    %swap3A_395 = arith.constant 0 : index
    %swap3A_396 = arith.constant 0 : index
    %swap3A_397 = vector.load %arg5[%swap3A_394, %swap3A_395, %swap3A_396] : memref<21x64x512xf32, #tpu.memory_space<vmem>>, vector<1x64x512xf32>
    %swap3A_398 = vector.shape_cast %swap3A_397 : vector<1x64x512xf32> to vector<64x512xf32>
    %swap3A_399 = vector.shape_cast %exp3A_393 : vector<64x512xf32> to vector<1x64x512xf32>
    tpu.vector_store %arg5[%swap3A_394, %swap3A_395, %swap3A_396], %swap3A_399 {strides = array<i32>} : memref<21x64x512xf32, #tpu.memory_space<vmem>>, vector<1x64x512xf32>,
    %add3A_400 = arith.addf %add3A_385, %exp3A_393 : vector<64x512xf32>
    %get3A_401 = arith.constant 0 : index
    %get3A_402 = arith.constant 17 : index
    %get3A_403 = arith.constant 0 : index
    %get3A_404 = arith.constant 0 : index
    %get3A_405 = vector.load %arg2[%get3A_401, %get3A_402, %get3A_403, %get3A_404] : memref<1x21x64x512xf32, #tpu.memory_space<vmem>>, vector<1x1x64x512xf32>
    %get3A_406 = vector.shape_cast %get3A_405 : vector<1x1x64x512xf32> to vector<64x512xf32>
    %sub3A_407 = arith.subf %get3A_406, %max3A_148 : vector<64x512xf32>
    %exp3A_408 = math.exp %sub3A_407 : vector<64x512xf32>
    %swap3A_409 = arith.constant 17 : index
    %swap3A_410 = arith.constant 0 : index
    %swap3A_411 = arith.constant 0 : index
    %swap3A_412 = vector.load %arg5[%swap3A_409, %swap3A_410, %swap3A_411] : memref<21x64x512xf32, #tpu.memory_space<vmem>>, vector<1x64x512xf32>
    %swap3A_413 = vector.shape_cast %swap3A_412 : vector<1x64x512xf32> to vector<64x512xf32>
    %swap3A_414 = vector.shape_cast %exp3A_408 : vector<64x512xf32> to vector<1x64x512xf32>
    tpu.vector_store %arg5[%swap3A_409, %swap3A_410, %swap3A_411], %swap3A_414 {strides = array<i32>} : memref<21x64x512xf32, #tpu.memory_space<vmem>>, vector<1x64x512xf32>,
    %add3A_415 = arith.addf %add3A_400, %exp3A_408 : vector<64x512xf32>
    %get3A_416 = arith.constant 0 : index
    %get3A_417 = arith.constant 18 : index
    %get3A_418 = arith.constant 0 : index
    %get3A_419 = arith.constant 0 : index
    %get3A_420 = vector.load %arg2[%get3A_416, %get3A_417, %get3A_418, %get3A_419] : memref<1x21x64x512xf32, #tpu.memory_space<vmem>>, vector<1x1x64x512xf32>
    %get3A_421 = vector.shape_cast %get3A_420 : vector<1x1x64x512xf32> to vector<64x512xf32>
    %sub3A_422 = arith.subf %get3A_421, %max3A_148 : vector<64x512xf32>
    %exp3A_423 = math.exp %sub3A_422 : vector<64x512xf32>
    %swap3A_424 = arith.constant 18 : index
    %swap3A_425 = arith.constant 0 : index
    %swap3A_426 = arith.constant 0 : index
    %swap3A_427 = vector.load %arg5[%swap3A_424, %swap3A_425, %swap3A_426] : memref<21x64x512xf32, #tpu.memory_space<vmem>>, vector<1x64x512xf32>
    %swap3A_428 = vector.shape_cast %swap3A_427 : vector<1x64x512xf32> to vector<64x512xf32>
    %swap3A_429 = vector.shape_cast %exp3A_423 : vector<64x512xf32> to vector<1x64x512xf32>
    tpu.vector_store %arg5[%swap3A_424, %swap3A_425, %swap3A_426], %swap3A_429 {strides = array<i32>} : memref<21x64x512xf32, #tpu.memory_space<vmem>>, vector<1x64x512xf32>,
    %add3A_430 = arith.addf %add3A_415, %exp3A_423 : vector<64x512xf32>
    %get3A_431 = arith.constant 0 : index
    %get3A_432 = arith.constant 19 : index
    %get3A_433 = arith.constant 0 : index
    %get3A_434 = arith.constant 0 : index
    %get3A_435 = vector.load %arg2[%get3A_431, %get3A_432, %get3A_433, %get3A_434] : memref<1x21x64x512xf32, #tpu.memory_space<vmem>>, vector<1x1x64x512xf32>
    %get3A_436 = vector.shape_cast %get3A_435 : vector<1x1x64x512xf32> to vector<64x512xf32>
    %sub3A_437 = arith.subf %get3A_436, %max3A_148 : vector<64x512xf32>
    %exp3A_438 = math.exp %sub3A_437 : vector<64x512xf32>
    %swap3A_439 = arith.constant 19 : index
    %swap3A_440 = arith.constant 0 : index
    %swap3A_441 = arith.constant 0 : index
    %swap3A_442 = vector.load %arg5[%swap3A_439, %swap3A_440, %swap3A_441] : memref<21x64x512xf32, #tpu.memory_space<vmem>>, vector<1x64x512xf32>
    %swap3A_443 = vector.shape_cast %swap3A_442 : vector<1x64x512xf32> to vector<64x512xf32>
    %swap3A_444 = vector.shape_cast %exp3A_438 : vector<64x512xf32> to vector<1x64x512xf32>
    tpu.vector_store %arg5[%swap3A_439, %swap3A_440, %swap3A_441], %swap3A_444 {strides = array<i32>} : memref<21x64x512xf32, #tpu.memory_space<vmem>>, vector<1x64x512xf32>,
    %add3A_445 = arith.addf %add3A_430, %exp3A_438 : vector<64x512xf32>
    %get3A_446 = arith.constant 0 : index
    %get3A_447 = arith.constant 20 : index
    %get3A_448 = arith.constant 0 : index
    %get3A_449 = arith.constant 0 : index
    %get3A_450 = vector.load %arg2[%get3A_446, %get3A_447, %get3A_448, %get3A_449] : memref<1x21x64x512xf32, #tpu.memory_space<vmem>>, vector<1x1x64x512xf32>
    %get3A_451 = vector.shape_cast %get3A_450 : vector<1x1x64x512xf32> to vector<64x512xf32>
    %sub3A_452 = arith.subf %get3A_451, %max3A_148 : vector<64x512xf32>
    %exp3A_453 = math.exp %sub3A_452 : vector<64x512xf32>
    %swap3A_454 = arith.constant 20 : index
    %swap3A_455 = arith.constant 0 : index
    %swap3A_456 = arith.constant 0 : index
    %swap3A_457 = vector.load %arg5[%swap3A_454, %swap3A_455, %swap3A_456] : memref<21x64x512xf32, #tpu.memory_space<vmem>>, vector<1x64x512xf32>
    %swap3A_458 = vector.shape_cast %swap3A_457 : vector<1x64x512xf32> to vector<64x512xf32>
    %swap3A_459 = vector.shape_cast %exp3A_453 : vector<64x512xf32> to vector<1x64x512xf32>
    tpu.vector_store %arg5[%swap3A_454, %swap3A_455, %swap3A_456], %swap3A_459 {strides = array<i32>} : memref<21x64x512xf32, #tpu.memory_space<vmem>>, vector<1x64x512xf32>,
    %add3A_460 = arith.addf %add3A_445, %exp3A_453 : vector<64x512xf32>
    %div3A = arith.constant 1.000000e+00 : f32
    %div3A_461 = vector.broadcast %div3A : f32 to vector<64x512xf32>
    %div3A_462 = arith.divf %div3A_461, %add3A_460 : vector<64x512xf32>
    %get3A_463 = arith.constant 0 : index
    %get3A_464 = arith.constant 0 : index
    %get3A_465 = arith.constant 0 : index
    %get3A_466 = vector.load %arg5[%get3A_463, %get3A_464, %get3A_465] : memref<21x64x512xf32, #tpu.memory_space<vmem>>, vector<1x64x512xf32>
    %get3A_467 = vector.shape_cast %get3A_466 : vector<1x64x512xf32> to vector<64x512xf32>
    %mul3A = arith.mulf %get3A_467, %div3A_462 : vector<64x512xf32>
    %eq3A = arith.constant 0 : i32
    %eq3A_468 = vector.broadcast %eq3A : i32 to vector<64x512xi32>
    %eq3A_469 = arith.cmpi eq, %get3A_3, %eq3A_468 : vector<64x512xi32>
    %sub3A_470 = arith.constant 1.000000e+00 : f32
    %sub3A_471 = vector.broadcast %sub3A_470 : f32 to vector<64x512xf32>
    %sub3A_472 = arith.subf %sub3A_471, %mul3A : vector<64x512xf32>
    %select_n3A = arith.select %eq3A_469, %sub3A_472, %mul3A : vector<64x512xi1>, vector<64x512xf32>
    %mul3A_473 = arith.constant 1.024000e+03 : f32
    %mul3A_474 = vector.broadcast %mul3A_473 : f32 to vector<64x512xf32>
    %mul3A_475 = arith.mulf %select_n3A, %mul3A_474 : vector<64x512xf32>
    %convert_element_type3A = arith.fptosi %mul3A_475 : vector<64x512xf32> to vector<64x512xi32>
    %min3A = arith.constant 1023 : i32
    %min3A_476 = vector.broadcast %min3A : i32 to vector<64x512xi32>
    %min3A_477 = arith.minsi %convert_element_type3A, %min3A_476 : vector<64x512xi32>
    %jit3A = arith.constant 21504 : i32
    %jit3A_478 = arith.constant 0 : i32
    %broadcast_in_dim3A_479 = vector.broadcast %jit3A : i32 to vector<64x512xi32>
    %broadcast_in_dim3A_480 = vector.broadcast %jit3A_478 : i32 to vector<64x512xi32>
    %select_n3A_481 = arith.select %eq3A_469, %broadcast_in_dim3A_479, %broadcast_in_dim3A_480 : vector<64x512xi1>, vector<64x512xi32>
    %add3A_482 = arith.addi %min3A_477, %select_n3A_481 : vector<64x512xi32>
    %reshape3A = vector.shape_cast %add3A_482 : vector<64x512xi32> to vector<256x128xi32>
    %swap3A_483 = arith.constant 0 : index
    %swap3A_484 = arith.constant 0 : index
    %swap3A_485 = arith.constant 0 : index
    %swap3A_486 = arith.constant 0 : index
    %swap3A_487 = vector.load %arg4[%swap3A_483, %swap3A_484, %swap3A_485, %swap3A_486] : memref<1x21x256x128xi32, #tpu.memory_space<vmem>>, vector<1x1x256x128xi32>
    %swap3A_488 = vector.shape_cast %swap3A_487 : vector<1x1x256x128xi32> to vector<256x128xi32>
    %swap3A_489 = vector.shape_cast %reshape3A : vector<256x128xi32> to vector<1x1x256x128xi32>
    tpu.vector_store %arg4[%swap3A_483, %swap3A_484, %swap3A_485, %swap3A_486], %swap3A_489 {strides = array<i32>} : memref<1x21x256x128xi32, #tpu.memory_space<vmem>>, vector<1x1x256x128xi32>,
    %get3A_490 = arith.constant 1 : index
    %get3A_491 = arith.constant 0 : index
    %get3A_492 = arith.constant 0 : index
    %get3A_493 = vector.load %arg5[%get3A_490, %get3A_491, %get3A_492] : memref<21x64x512xf32, #tpu.memory_space<vmem>>, vector<1x64x512xf32>
    %get3A_494 = vector.shape_cast %get3A_493 : vector<1x64x512xf32> to vector<64x512xf32>
    %mul3A_495 = arith.mulf %get3A_494, %div3A_462 : vector<64x512xf32>
    %eq3A_496 = arith.constant 1 : i32
    %eq3A_497 = vector.broadcast %eq3A_496 : i32 to vector<64x512xi32>
    %eq3A_498 = arith.cmpi eq, %get3A_3, %eq3A_497 : vector<64x512xi32>
    %sub3A_499 = arith.constant 1.000000e+00 : f32
    %sub3A_500 = vector.broadcast %sub3A_499 : f32 to vector<64x512xf32>
    %sub3A_501 = arith.subf %sub3A_500, %mul3A_495 : vector<64x512xf32>
    %select_n3A_502 = arith.select %eq3A_498, %sub3A_501, %mul3A_495 : vector<64x512xi1>, vector<64x512xf32>
    %mul3A_503 = arith.constant 1.024000e+03 : f32
    %mul3A_504 = vector.broadcast %mul3A_503 : f32 to vector<64x512xf32>
    %mul3A_505 = arith.mulf %select_n3A_502, %mul3A_504 : vector<64x512xf32>
    %convert_element_type3A_506 = arith.fptosi %mul3A_505 : vector<64x512xf32> to vector<64x512xi32>
    %min3A_507 = arith.constant 1023 : i32
    %min3A_508 = vector.broadcast %min3A_507 : i32 to vector<64x512xi32>
    %min3A_509 = arith.minsi %convert_element_type3A_506, %min3A_508 : vector<64x512xi32>
    %jit3A_510 = arith.constant 22528 : i32
    %jit3A_511 = arith.constant 1024 : i32
    %broadcast_in_dim3A_512 = vector.broadcast %jit3A_510 : i32 to vector<64x512xi32>
    %broadcast_in_dim3A_513 = vector.broadcast %jit3A_511 : i32 to vector<64x512xi32>
    %select_n3A_514 = arith.select %eq3A_498, %broadcast_in_dim3A_512, %broadcast_in_dim3A_513 : vector<64x512xi1>, vector<64x512xi32>
    %add3A_515 = arith.addi %min3A_509, %select_n3A_514 : vector<64x512xi32>
    %reshape3A_516 = vector.shape_cast %add3A_515 : vector<64x512xi32> to vector<256x128xi32>
    %swap3A_517 = arith.constant 0 : index
    %swap3A_518 = arith.constant 1 : index
    %swap3A_519 = arith.constant 0 : index
    %swap3A_520 = arith.constant 0 : index
    %swap3A_521 = vector.load %arg4[%swap3A_517, %swap3A_518, %swap3A_519, %swap3A_520] : memref<1x21x256x128xi32, #tpu.memory_space<vmem>>, vector<1x1x256x128xi32>
    %swap3A_522 = vector.shape_cast %swap3A_521 : vector<1x1x256x128xi32> to vector<256x128xi32>
    %swap3A_523 = vector.shape_cast %reshape3A_516 : vector<256x128xi32> to vector<1x1x256x128xi32>
    tpu.vector_store %arg4[%swap3A_517, %swap3A_518, %swap3A_519, %swap3A_520], %swap3A_523 {strides = array<i32>} : memref<1x21x256x128xi32, #tpu.memory_space<vmem>>, vector<1x1x256x128xi32>,
    %get3A_524 = arith.constant 2 : index
    %get3A_525 = arith.constant 0 : index
    %get3A_526 = arith.constant 0 : index
    %get3A_527 = vector.load %arg5[%get3A_524, %get3A_525, %get3A_526] : memref<21x64x512xf32, #tpu.memory_space<vmem>>, vector<1x64x512xf32>
    %get3A_528 = vector.shape_cast %get3A_527 : vector<1x64x512xf32> to vector<64x512xf32>
    %mul3A_529 = arith.mulf %get3A_528, %div3A_462 : vector<64x512xf32>
    %eq3A_530 = arith.constant 2 : i32
    %eq3A_531 = vector.broadcast %eq3A_530 : i32 to vector<64x512xi32>
    %eq3A_532 = arith.cmpi eq, %get3A_3, %eq3A_531 : vector<64x512xi32>
    %sub3A_533 = arith.constant 1.000000e+00 : f32
    %sub3A_534 = vector.broadcast %sub3A_533 : f32 to vector<64x512xf32>
    %sub3A_535 = arith.subf %sub3A_534, %mul3A_529 : vector<64x512xf32>
    %select_n3A_536 = arith.select %eq3A_532, %sub3A_535, %mul3A_529 : vector<64x512xi1>, vector<64x512xf32>
    %mul3A_537 = arith.constant 1.024000e+03 : f32
    %mul3A_538 = vector.broadcast %mul3A_537 : f32 to vector<64x512xf32>
    %mul3A_539 = arith.mulf %select_n3A_536, %mul3A_538 : vector<64x512xf32>
    %convert_element_type3A_540 = arith.fptosi %mul3A_539 : vector<64x512xf32> to vector<64x512xi32>
    %min3A_541 = arith.constant 1023 : i32
    %min3A_542 = vector.broadcast %min3A_541 : i32 to vector<64x512xi32>
    %min3A_543 = arith.minsi %convert_element_type3A_540, %min3A_542 : vector<64x512xi32>
    %jit3A_544 = arith.constant 23552 : i32
    %jit3A_545 = arith.constant 2048 : i32
    %broadcast_in_dim3A_546 = vector.broadcast %jit3A_544 : i32 to vector<64x512xi32>
    %broadcast_in_dim3A_547 = vector.broadcast %jit3A_545 : i32 to vector<64x512xi32>
    %select_n3A_548 = arith.select %eq3A_532, %broadcast_in_dim3A_546, %broadcast_in_dim3A_547 : vector<64x512xi1>, vector<64x512xi32>
    %add3A_549 = arith.addi %min3A_543, %select_n3A_548 : vector<64x512xi32>
    %reshape3A_550 = vector.shape_cast %add3A_549 : vector<64x512xi32> to vector<256x128xi32>
    %swap3A_551 = arith.constant 0 : index
    %swap3A_552 = arith.constant 2 : index
    %swap3A_553 = arith.constant 0 : index
    %swap3A_554 = arith.constant 0 : index
    %swap3A_555 = vector.load %arg4[%swap3A_551, %swap3A_552, %swap3A_553, %swap3A_554] : memref<1x21x256x128xi32, #tpu.memory_space<vmem>>, vector<1x1x256x128xi32>
    %swap3A_556 = vector.shape_cast %swap3A_555 : vector<1x1x256x128xi32> to vector<256x128xi32>
    %swap3A_557 = vector.shape_cast %reshape3A_550 : vector<256x128xi32> to vector<1x1x256x128xi32>
    tpu.vector_store %arg4[%swap3A_551, %swap3A_552, %swap3A_553, %swap3A_554], %swap3A_557 {strides = array<i32>} : memref<1x21x256x128xi32, #tpu.memory_space<vmem>>, vector<1x1x256x128xi32>,
    %get3A_558 = arith.constant 3 : index
    %get3A_559 = arith.constant 0 : index
    %get3A_560 = arith.constant 0 : index
    %get3A_561 = vector.load %arg5[%get3A_558, %get3A_559, %get3A_560] : memref<21x64x512xf32, #tpu.memory_space<vmem>>, vector<1x64x512xf32>
    %get3A_562 = vector.shape_cast %get3A_561 : vector<1x64x512xf32> to vector<64x512xf32>
    %mul3A_563 = arith.mulf %get3A_562, %div3A_462 : vector<64x512xf32>
    %eq3A_564 = arith.constant 3 : i32
    %eq3A_565 = vector.broadcast %eq3A_564 : i32 to vector<64x512xi32>
    %eq3A_566 = arith.cmpi eq, %get3A_3, %eq3A_565 : vector<64x512xi32>
    %sub3A_567 = arith.constant 1.000000e+00 : f32
    %sub3A_568 = vector.broadcast %sub3A_567 : f32 to vector<64x512xf32>
    %sub3A_569 = arith.subf %sub3A_568, %mul3A_563 : vector<64x512xf32>
    %select_n3A_570 = arith.select %eq3A_566, %sub3A_569, %mul3A_563 : vector<64x512xi1>, vector<64x512xf32>
    %mul3A_571 = arith.constant 1.024000e+03 : f32
    %mul3A_572 = vector.broadcast %mul3A_571 : f32 to vector<64x512xf32>
    %mul3A_573 = arith.mulf %select_n3A_570, %mul3A_572 : vector<64x512xf32>
    %convert_element_type3A_574 = arith.fptosi %mul3A_573 : vector<64x512xf32> to vector<64x512xi32>
    %min3A_575 = arith.constant 1023 : i32
    %min3A_576 = vector.broadcast %min3A_575 : i32 to vector<64x512xi32>
    %min3A_577 = arith.minsi %convert_element_type3A_574, %min3A_576 : vector<64x512xi32>
    %jit3A_578 = arith.constant 24576 : i32
    %jit3A_579 = arith.constant 3072 : i32
    %broadcast_in_dim3A_580 = vector.broadcast %jit3A_578 : i32 to vector<64x512xi32>
    %broadcast_in_dim3A_581 = vector.broadcast %jit3A_579 : i32 to vector<64x512xi32>
    %select_n3A_582 = arith.select %eq3A_566, %broadcast_in_dim3A_580, %broadcast_in_dim3A_581 : vector<64x512xi1>, vector<64x512xi32>
    %add3A_583 = arith.addi %min3A_577, %select_n3A_582 : vector<64x512xi32>
    %reshape3A_584 = vector.shape_cast %add3A_583 : vector<64x512xi32> to vector<256x128xi32>
    %swap3A_585 = arith.constant 0 : index
    %swap3A_586 = arith.constant 3 : index
    %swap3A_587 = arith.constant 0 : index
    %swap3A_588 = arith.constant 0 : index
    %swap3A_589 = vector.load %arg4[%swap3A_585, %swap3A_586, %swap3A_587, %swap3A_588] : memref<1x21x256x128xi32, #tpu.memory_space<vmem>>, vector<1x1x256x128xi32>
    %swap3A_590 = vector.shape_cast %swap3A_589 : vector<1x1x256x128xi32> to vector<256x128xi32>
    %swap3A_591 = vector.shape_cast %reshape3A_584 : vector<256x128xi32> to vector<1x1x256x128xi32>
    tpu.vector_store %arg4[%swap3A_585, %swap3A_586, %swap3A_587, %swap3A_588], %swap3A_591 {strides = array<i32>} : memref<1x21x256x128xi32, #tpu.memory_space<vmem>>, vector<1x1x256x128xi32>,
    %get3A_592 = arith.constant 4 : index
    %get3A_593 = arith.constant 0 : index
    %get3A_594 = arith.constant 0 : index
    %get3A_595 = vector.load %arg5[%get3A_592, %get3A_593, %get3A_594] : memref<21x64x512xf32, #tpu.memory_space<vmem>>, vector<1x64x512xf32>
    %get3A_596 = vector.shape_cast %get3A_595 : vector<1x64x512xf32> to vector<64x512xf32>
    %mul3A_597 = arith.mulf %get3A_596, %div3A_462 : vector<64x512xf32>
    %eq3A_598 = arith.constant 4 : i32
    %eq3A_599 = vector.broadcast %eq3A_598 : i32 to vector<64x512xi32>
    %eq3A_600 = arith.cmpi eq, %get3A_3, %eq3A_599 : vector<64x512xi32>
    %sub3A_601 = arith.constant 1.000000e+00 : f32
    %sub3A_602 = vector.broadcast %sub3A_601 : f32 to vector<64x512xf32>
    %sub3A_603 = arith.subf %sub3A_602, %mul3A_597 : vector<64x512xf32>
    %select_n3A_604 = arith.select %eq3A_600, %sub3A_603, %mul3A_597 : vector<64x512xi1>, vector<64x512xf32>
    %mul3A_605 = arith.constant 1.024000e+03 : f32
    %mul3A_606 = vector.broadcast %mul3A_605 : f32 to vector<64x512xf32>
    %mul3A_607 = arith.mulf %select_n3A_604, %mul3A_606 : vector<64x512xf32>
    %convert_element_type3A_608 = arith.fptosi %mul3A_607 : vector<64x512xf32> to vector<64x512xi32>
    %min3A_609 = arith.constant 1023 : i32
    %min3A_610 = vector.broadcast %min3A_609 : i32 to vector<64x512xi32>
    %min3A_611 = arith.minsi %convert_element_type3A_608, %min3A_610 : vector<64x512xi32>
    %jit3A_612 = arith.constant 25600 : i32
    %jit3A_613 = arith.constant 4096 : i32
    %broadcast_in_dim3A_614 = vector.broadcast %jit3A_612 : i32 to vector<64x512xi32>
    %broadcast_in_dim3A_615 = vector.broadcast %jit3A_613 : i32 to vector<64x512xi32>
    %select_n3A_616 = arith.select %eq3A_600, %broadcast_in_dim3A_614, %broadcast_in_dim3A_615 : vector<64x512xi1>, vector<64x512xi32>
    %add3A_617 = arith.addi %min3A_611, %select_n3A_616 : vector<64x512xi32>
    %reshape3A_618 = vector.shape_cast %add3A_617 : vector<64x512xi32> to vector<256x128xi32>
    %swap3A_619 = arith.constant 0 : index
    %swap3A_620 = arith.constant 4 : index
    %swap3A_621 = arith.constant 0 : index
    %swap3A_622 = arith.constant 0 : index
    %swap3A_623 = vector.load %arg4[%swap3A_619, %swap3A_620, %swap3A_621, %swap3A_622] : memref<1x21x256x128xi32, #tpu.memory_space<vmem>>, vector<1x1x256x128xi32>
    %swap3A_624 = vector.shape_cast %swap3A_623 : vector<1x1x256x128xi32> to vector<256x128xi32>
    %swap3A_625 = vector.shape_cast %reshape3A_618 : vector<256x128xi32> to vector<1x1x256x128xi32>
    tpu.vector_store %arg4[%swap3A_619, %swap3A_620, %swap3A_621, %swap3A_622], %swap3A_625 {strides = array<i32>} : memref<1x21x256x128xi32, #tpu.memory_space<vmem>>, vector<1x1x256x128xi32>,
    %get3A_626 = arith.constant 5 : index
    %get3A_627 = arith.constant 0 : index
    %get3A_628 = arith.constant 0 : index
    %get3A_629 = vector.load %arg5[%get3A_626, %get3A_627, %get3A_628] : memref<21x64x512xf32, #tpu.memory_space<vmem>>, vector<1x64x512xf32>
    %get3A_630 = vector.shape_cast %get3A_629 : vector<1x64x512xf32> to vector<64x512xf32>
    %mul3A_631 = arith.mulf %get3A_630, %div3A_462 : vector<64x512xf32>
    %eq3A_632 = arith.constant 5 : i32
    %eq3A_633 = vector.broadcast %eq3A_632 : i32 to vector<64x512xi32>
    %eq3A_634 = arith.cmpi eq, %get3A_3, %eq3A_633 : vector<64x512xi32>
    %sub3A_635 = arith.constant 1.000000e+00 : f32
    %sub3A_636 = vector.broadcast %sub3A_635 : f32 to vector<64x512xf32>
    %sub3A_637 = arith.subf %sub3A_636, %mul3A_631 : vector<64x512xf32>
    %select_n3A_638 = arith.select %eq3A_634, %sub3A_637, %mul3A_631 : vector<64x512xi1>, vector<64x512xf32>
    %mul3A_639 = arith.constant 1.024000e+03 : f32
    %mul3A_640 = vector.broadcast %mul3A_639 : f32 to vector<64x512xf32>
    %mul3A_641 = arith.mulf %select_n3A_638, %mul3A_640 : vector<64x512xf32>
    %convert_element_type3A_642 = arith.fptosi %mul3A_641 : vector<64x512xf32> to vector<64x512xi32>
    %min3A_643 = arith.constant 1023 : i32
    %min3A_644 = vector.broadcast %min3A_643 : i32 to vector<64x512xi32>
    %min3A_645 = arith.minsi %convert_element_type3A_642, %min3A_644 : vector<64x512xi32>
    %jit3A_646 = arith.constant 26624 : i32
    %jit3A_647 = arith.constant 5120 : i32
    %broadcast_in_dim3A_648 = vector.broadcast %jit3A_646 : i32 to vector<64x512xi32>
    %broadcast_in_dim3A_649 = vector.broadcast %jit3A_647 : i32 to vector<64x512xi32>
    %select_n3A_650 = arith.select %eq3A_634, %broadcast_in_dim3A_648, %broadcast_in_dim3A_649 : vector<64x512xi1>, vector<64x512xi32>
    %add3A_651 = arith.addi %min3A_645, %select_n3A_650 : vector<64x512xi32>
    %reshape3A_652 = vector.shape_cast %add3A_651 : vector<64x512xi32> to vector<256x128xi32>
    %swap3A_653 = arith.constant 0 : index
    %swap3A_654 = arith.constant 5 : index
    %swap3A_655 = arith.constant 0 : index
    %swap3A_656 = arith.constant 0 : index
    %swap3A_657 = vector.load %arg4[%swap3A_653, %swap3A_654, %swap3A_655, %swap3A_656] : memref<1x21x256x128xi32, #tpu.memory_space<vmem>>, vector<1x1x256x128xi32>
    %swap3A_658 = vector.shape_cast %swap3A_657 : vector<1x1x256x128xi32> to vector<256x128xi32>
    %swap3A_659 = vector.shape_cast %reshape3A_652 : vector<256x128xi32> to vector<1x1x256x128xi32>
    tpu.vector_store %arg4[%swap3A_653, %swap3A_654, %swap3A_655, %swap3A_656], %swap3A_659 {strides = array<i32>} : memref<1x21x256x128xi32, #tpu.memory_space<vmem>>, vector<1x1x256x128xi32>,
    %get3A_660 = arith.constant 6 : index
    %get3A_661 = arith.constant 0 : index
    %get3A_662 = arith.constant 0 : index
    %get3A_663 = vector.load %arg5[%get3A_660, %get3A_661, %get3A_662] : memref<21x64x512xf32, #tpu.memory_space<vmem>>, vector<1x64x512xf32>
    %get3A_664 = vector.shape_cast %get3A_663 : vector<1x64x512xf32> to vector<64x512xf32>
    %mul3A_665 = arith.mulf %get3A_664, %div3A_462 : vector<64x512xf32>
    %eq3A_666 = arith.constant 6 : i32
    %eq3A_667 = vector.broadcast %eq3A_666 : i32 to vector<64x512xi32>
    %eq3A_668 = arith.cmpi eq, %get3A_3, %eq3A_667 : vector<64x512xi32>
    %sub3A_669 = arith.constant 1.000000e+00 : f32
    %sub3A_670 = vector.broadcast %sub3A_669 : f32 to vector<64x512xf32>
    %sub3A_671 = arith.subf %sub3A_670, %mul3A_665 : vector<64x512xf32>
    %select_n3A_672 = arith.select %eq3A_668, %sub3A_671, %mul3A_665 : vector<64x512xi1>, vector<64x512xf32>
    %mul3A_673 = arith.constant 1.024000e+03 : f32
    %mul3A_674 = vector.broadcast %mul3A_673 : f32 to vector<64x512xf32>
    %mul3A_675 = arith.mulf %select_n3A_672, %mul3A_674 : vector<64x512xf32>
    %convert_element_type3A_676 = arith.fptosi %mul3A_675 : vector<64x512xf32> to vector<64x512xi32>
    %min3A_677 = arith.constant 1023 : i32
    %min3A_678 = vector.broadcast %min3A_677 : i32 to vector<64x512xi32>
    %min3A_679 = arith.minsi %convert_element_type3A_676, %min3A_678 : vector<64x512xi32>
    %jit3A_680 = arith.constant 27648 : i32
    %jit3A_681 = arith.constant 6144 : i32
    %broadcast_in_dim3A_682 = vector.broadcast %jit3A_680 : i32 to vector<64x512xi32>
    %broadcast_in_dim3A_683 = vector.broadcast %jit3A_681 : i32 to vector<64x512xi32>
    %select_n3A_684 = arith.select %eq3A_668, %broadcast_in_dim3A_682, %broadcast_in_dim3A_683 : vector<64x512xi1>, vector<64x512xi32>
    %add3A_685 = arith.addi %min3A_679, %select_n3A_684 : vector<64x512xi32>
    %reshape3A_686 = vector.shape_cast %add3A_685 : vector<64x512xi32> to vector<256x128xi32>
    %swap3A_687 = arith.constant 0 : index
    %swap3A_688 = arith.constant 6 : index
    %swap3A_689 = arith.constant 0 : index
    %swap3A_690 = arith.constant 0 : index
    %swap3A_691 = vector.load %arg4[%swap3A_687, %swap3A_688, %swap3A_689, %swap3A_690] : memref<1x21x256x128xi32, #tpu.memory_space<vmem>>, vector<1x1x256x128xi32>
    %swap3A_692 = vector.shape_cast %swap3A_691 : vector<1x1x256x128xi32> to vector<256x128xi32>
    %swap3A_693 = vector.shape_cast %reshape3A_686 : vector<256x128xi32> to vector<1x1x256x128xi32>
    tpu.vector_store %arg4[%swap3A_687, %swap3A_688, %swap3A_689, %swap3A_690], %swap3A_693 {strides = array<i32>} : memref<1x21x256x128xi32, #tpu.memory_space<vmem>>, vector<1x1x256x128xi32>,
    %get3A_694 = arith.constant 7 : index
    %get3A_695 = arith.constant 0 : index
    %get3A_696 = arith.constant 0 : index
    %get3A_697 = vector.load %arg5[%get3A_694, %get3A_695, %get3A_696] : memref<21x64x512xf32, #tpu.memory_space<vmem>>, vector<1x64x512xf32>
    %get3A_698 = vector.shape_cast %get3A_697 : vector<1x64x512xf32> to vector<64x512xf32>
    %mul3A_699 = arith.mulf %get3A_698, %div3A_462 : vector<64x512xf32>
    %eq3A_700 = arith.constant 7 : i32
    %eq3A_701 = vector.broadcast %eq3A_700 : i32 to vector<64x512xi32>
    %eq3A_702 = arith.cmpi eq, %get3A_3, %eq3A_701 : vector<64x512xi32>
    %sub3A_703 = arith.constant 1.000000e+00 : f32
    %sub3A_704 = vector.broadcast %sub3A_703 : f32 to vector<64x512xf32>
    %sub3A_705 = arith.subf %sub3A_704, %mul3A_699 : vector<64x512xf32>
    %select_n3A_706 = arith.select %eq3A_702, %sub3A_705, %mul3A_699 : vector<64x512xi1>, vector<64x512xf32>
    %mul3A_707 = arith.constant 1.024000e+03 : f32
    %mul3A_708 = vector.broadcast %mul3A_707 : f32 to vector<64x512xf32>
    %mul3A_709 = arith.mulf %select_n3A_706, %mul3A_708 : vector<64x512xf32>
    %convert_element_type3A_710 = arith.fptosi %mul3A_709 : vector<64x512xf32> to vector<64x512xi32>
    %min3A_711 = arith.constant 1023 : i32
    %min3A_712 = vector.broadcast %min3A_711 : i32 to vector<64x512xi32>
    %min3A_713 = arith.minsi %convert_element_type3A_710, %min3A_712 : vector<64x512xi32>
    %jit3A_714 = arith.constant 28672 : i32
    %jit3A_715 = arith.constant 7168 : i32
    %broadcast_in_dim3A_716 = vector.broadcast %jit3A_714 : i32 to vector<64x512xi32>
    %broadcast_in_dim3A_717 = vector.broadcast %jit3A_715 : i32 to vector<64x512xi32>
    %select_n3A_718 = arith.select %eq3A_702, %broadcast_in_dim3A_716, %broadcast_in_dim3A_717 : vector<64x512xi1>, vector<64x512xi32>
    %add3A_719 = arith.addi %min3A_713, %select_n3A_718 : vector<64x512xi32>
    %reshape3A_720 = vector.shape_cast %add3A_719 : vector<64x512xi32> to vector<256x128xi32>
    %swap3A_721 = arith.constant 0 : index
    %swap3A_722 = arith.constant 7 : index
    %swap3A_723 = arith.constant 0 : index
    %swap3A_724 = arith.constant 0 : index
    %swap3A_725 = vector.load %arg4[%swap3A_721, %swap3A_722, %swap3A_723, %swap3A_724] : memref<1x21x256x128xi32, #tpu.memory_space<vmem>>, vector<1x1x256x128xi32>
    %swap3A_726 = vector.shape_cast %swap3A_725 : vector<1x1x256x128xi32> to vector<256x128xi32>
    %swap3A_727 = vector.shape_cast %reshape3A_720 : vector<256x128xi32> to vector<1x1x256x128xi32>
    tpu.vector_store %arg4[%swap3A_721, %swap3A_722, %swap3A_723, %swap3A_724], %swap3A_727 {strides = array<i32>} : memref<1x21x256x128xi32, #tpu.memory_space<vmem>>, vector<1x1x256x128xi32>,
    %get3A_728 = arith.constant 8 : index
    %get3A_729 = arith.constant 0 : index
    %get3A_730 = arith.constant 0 : index
    %get3A_731 = vector.load %arg5[%get3A_728, %get3A_729, %get3A_730] : memref<21x64x512xf32, #tpu.memory_space<vmem>>, vector<1x64x512xf32>
    %get3A_732 = vector.shape_cast %get3A_731 : vector<1x64x512xf32> to vector<64x512xf32>
    %mul3A_733 = arith.mulf %get3A_732, %div3A_462 : vector<64x512xf32>
    %eq3A_734 = arith.constant 8 : i32
    %eq3A_735 = vector.broadcast %eq3A_734 : i32 to vector<64x512xi32>
    %eq3A_736 = arith.cmpi eq, %get3A_3, %eq3A_735 : vector<64x512xi32>
    %sub3A_737 = arith.constant 1.000000e+00 : f32
    %sub3A_738 = vector.broadcast %sub3A_737 : f32 to vector<64x512xf32>
    %sub3A_739 = arith.subf %sub3A_738, %mul3A_733 : vector<64x512xf32>
    %select_n3A_740 = arith.select %eq3A_736, %sub3A_739, %mul3A_733 : vector<64x512xi1>, vector<64x512xf32>
    %mul3A_741 = arith.constant 1.024000e+03 : f32
    %mul3A_742 = vector.broadcast %mul3A_741 : f32 to vector<64x512xf32>
    %mul3A_743 = arith.mulf %select_n3A_740, %mul3A_742 : vector<64x512xf32>
    %convert_element_type3A_744 = arith.fptosi %mul3A_743 : vector<64x512xf32> to vector<64x512xi32>
    %min3A_745 = arith.constant 1023 : i32
    %min3A_746 = vector.broadcast %min3A_745 : i32 to vector<64x512xi32>
    %min3A_747 = arith.minsi %convert_element_type3A_744, %min3A_746 : vector<64x512xi32>
    %jit3A_748 = arith.constant 29696 : i32
    %jit3A_749 = arith.constant 8192 : i32
    %broadcast_in_dim3A_750 = vector.broadcast %jit3A_748 : i32 to vector<64x512xi32>
    %broadcast_in_dim3A_751 = vector.broadcast %jit3A_749 : i32 to vector<64x512xi32>
    %select_n3A_752 = arith.select %eq3A_736, %broadcast_in_dim3A_750, %broadcast_in_dim3A_751 : vector<64x512xi1>, vector<64x512xi32>
    %add3A_753 = arith.addi %min3A_747, %select_n3A_752 : vector<64x512xi32>
    %reshape3A_754 = vector.shape_cast %add3A_753 : vector<64x512xi32> to vector<256x128xi32>
    %swap3A_755 = arith.constant 0 : index
    %swap3A_756 = arith.constant 8 : index
    %swap3A_757 = arith.constant 0 : index
    %swap3A_758 = arith.constant 0 : index
    %swap3A_759 = vector.load %arg4[%swap3A_755, %swap3A_756, %swap3A_757, %swap3A_758] : memref<1x21x256x128xi32, #tpu.memory_space<vmem>>, vector<1x1x256x128xi32>
    %swap3A_760 = vector.shape_cast %swap3A_759 : vector<1x1x256x128xi32> to vector<256x128xi32>
    %swap3A_761 = vector.shape_cast %reshape3A_754 : vector<256x128xi32> to vector<1x1x256x128xi32>
    tpu.vector_store %arg4[%swap3A_755, %swap3A_756, %swap3A_757, %swap3A_758], %swap3A_761 {strides = array<i32>} : memref<1x21x256x128xi32, #tpu.memory_space<vmem>>, vector<1x1x256x128xi32>,
    %get3A_762 = arith.constant 9 : index
    %get3A_763 = arith.constant 0 : index
    %get3A_764 = arith.constant 0 : index
    %get3A_765 = vector.load %arg5[%get3A_762, %get3A_763, %get3A_764] : memref<21x64x512xf32, #tpu.memory_space<vmem>>, vector<1x64x512xf32>
    %get3A_766 = vector.shape_cast %get3A_765 : vector<1x64x512xf32> to vector<64x512xf32>
    %mul3A_767 = arith.mulf %get3A_766, %div3A_462 : vector<64x512xf32>
    %eq3A_768 = arith.constant 9 : i32
    %eq3A_769 = vector.broadcast %eq3A_768 : i32 to vector<64x512xi32>
    %eq3A_770 = arith.cmpi eq, %get3A_3, %eq3A_769 : vector<64x512xi32>
    %sub3A_771 = arith.constant 1.000000e+00 : f32
    %sub3A_772 = vector.broadcast %sub3A_771 : f32 to vector<64x512xf32>
    %sub3A_773 = arith.subf %sub3A_772, %mul3A_767 : vector<64x512xf32>
    %select_n3A_774 = arith.select %eq3A_770, %sub3A_773, %mul3A_767 : vector<64x512xi1>, vector<64x512xf32>
    %mul3A_775 = arith.constant 1.024000e+03 : f32
    %mul3A_776 = vector.broadcast %mul3A_775 : f32 to vector<64x512xf32>
    %mul3A_777 = arith.mulf %select_n3A_774, %mul3A_776 : vector<64x512xf32>
    %convert_element_type3A_778 = arith.fptosi %mul3A_777 : vector<64x512xf32> to vector<64x512xi32>
    %min3A_779 = arith.constant 1023 : i32
    %min3A_780 = vector.broadcast %min3A_779 : i32 to vector<64x512xi32>
    %min3A_781 = arith.minsi %convert_element_type3A_778, %min3A_780 : vector<64x512xi32>
    %jit3A_782 = arith.constant 30720 : i32
    %jit3A_783 = arith.constant 9216 : i32
    %broadcast_in_dim3A_784 = vector.broadcast %jit3A_782 : i32 to vector<64x512xi32>
    %broadcast_in_dim3A_785 = vector.broadcast %jit3A_783 : i32 to vector<64x512xi32>
    %select_n3A_786 = arith.select %eq3A_770, %broadcast_in_dim3A_784, %broadcast_in_dim3A_785 : vector<64x512xi1>, vector<64x512xi32>
    %add3A_787 = arith.addi %min3A_781, %select_n3A_786 : vector<64x512xi32>
    %reshape3A_788 = vector.shape_cast %add3A_787 : vector<64x512xi32> to vector<256x128xi32>
    %swap3A_789 = arith.constant 0 : index
    %swap3A_790 = arith.constant 9 : index
    %swap3A_791 = arith.constant 0 : index
    %swap3A_792 = arith.constant 0 : index
    %swap3A_793 = vector.load %arg4[%swap3A_789, %swap3A_790, %swap3A_791, %swap3A_792] : memref<1x21x256x128xi32, #tpu.memory_space<vmem>>, vector<1x1x256x128xi32>
    %swap3A_794 = vector.shape_cast %swap3A_793 : vector<1x1x256x128xi32> to vector<256x128xi32>
    %swap3A_795 = vector.shape_cast %reshape3A_788 : vector<256x128xi32> to vector<1x1x256x128xi32>
    tpu.vector_store %arg4[%swap3A_789, %swap3A_790, %swap3A_791, %swap3A_792], %swap3A_795 {strides = array<i32>} : memref<1x21x256x128xi32, #tpu.memory_space<vmem>>, vector<1x1x256x128xi32>,
    %get3A_796 = arith.constant 10 : index
    %get3A_797 = arith.constant 0 : index
    %get3A_798 = arith.constant 0 : index
    %get3A_799 = vector.load %arg5[%get3A_796, %get3A_797, %get3A_798] : memref<21x64x512xf32, #tpu.memory_space<vmem>>, vector<1x64x512xf32>
    %get3A_800 = vector.shape_cast %get3A_799 : vector<1x64x512xf32> to vector<64x512xf32>
    %mul3A_801 = arith.mulf %get3A_800, %div3A_462 : vector<64x512xf32>
    %eq3A_802 = arith.constant 10 : i32
    %eq3A_803 = vector.broadcast %eq3A_802 : i32 to vector<64x512xi32>
    %eq3A_804 = arith.cmpi eq, %get3A_3, %eq3A_803 : vector<64x512xi32>
    %sub3A_805 = arith.constant 1.000000e+00 : f32
    %sub3A_806 = vector.broadcast %sub3A_805 : f32 to vector<64x512xf32>
    %sub3A_807 = arith.subf %sub3A_806, %mul3A_801 : vector<64x512xf32>
    %select_n3A_808 = arith.select %eq3A_804, %sub3A_807, %mul3A_801 : vector<64x512xi1>, vector<64x512xf32>
    %mul3A_809 = arith.constant 1.024000e+03 : f32
    %mul3A_810 = vector.broadcast %mul3A_809 : f32 to vector<64x512xf32>
    %mul3A_811 = arith.mulf %select_n3A_808, %mul3A_810 : vector<64x512xf32>
    %convert_element_type3A_812 = arith.fptosi %mul3A_811 : vector<64x512xf32> to vector<64x512xi32>
    %min3A_813 = arith.constant 1023 : i32
    %min3A_814 = vector.broadcast %min3A_813 : i32 to vector<64x512xi32>
    %min3A_815 = arith.minsi %convert_element_type3A_812, %min3A_814 : vector<64x512xi32>
    %jit3A_816 = arith.constant 31744 : i32
    %jit3A_817 = arith.constant 10240 : i32
    %broadcast_in_dim3A_818 = vector.broadcast %jit3A_816 : i32 to vector<64x512xi32>
    %broadcast_in_dim3A_819 = vector.broadcast %jit3A_817 : i32 to vector<64x512xi32>
    %select_n3A_820 = arith.select %eq3A_804, %broadcast_in_dim3A_818, %broadcast_in_dim3A_819 : vector<64x512xi1>, vector<64x512xi32>
    %add3A_821 = arith.addi %min3A_815, %select_n3A_820 : vector<64x512xi32>
    %reshape3A_822 = vector.shape_cast %add3A_821 : vector<64x512xi32> to vector<256x128xi32>
    %swap3A_823 = arith.constant 0 : index
    %swap3A_824 = arith.constant 10 : index
    %swap3A_825 = arith.constant 0 : index
    %swap3A_826 = arith.constant 0 : index
    %swap3A_827 = vector.load %arg4[%swap3A_823, %swap3A_824, %swap3A_825, %swap3A_826] : memref<1x21x256x128xi32, #tpu.memory_space<vmem>>, vector<1x1x256x128xi32>
    %swap3A_828 = vector.shape_cast %swap3A_827 : vector<1x1x256x128xi32> to vector<256x128xi32>
    %swap3A_829 = vector.shape_cast %reshape3A_822 : vector<256x128xi32> to vector<1x1x256x128xi32>
    tpu.vector_store %arg4[%swap3A_823, %swap3A_824, %swap3A_825, %swap3A_826], %swap3A_829 {strides = array<i32>} : memref<1x21x256x128xi32, #tpu.memory_space<vmem>>, vector<1x1x256x128xi32>,
    %get3A_830 = arith.constant 11 : index
    %get3A_831 = arith.constant 0 : index
    %get3A_832 = arith.constant 0 : index
    %get3A_833 = vector.load %arg5[%get3A_830, %get3A_831, %get3A_832] : memref<21x64x512xf32, #tpu.memory_space<vmem>>, vector<1x64x512xf32>
    %get3A_834 = vector.shape_cast %get3A_833 : vector<1x64x512xf32> to vector<64x512xf32>
    %mul3A_835 = arith.mulf %get3A_834, %div3A_462 : vector<64x512xf32>
    %eq3A_836 = arith.constant 11 : i32
    %eq3A_837 = vector.broadcast %eq3A_836 : i32 to vector<64x512xi32>
    %eq3A_838 = arith.cmpi eq, %get3A_3, %eq3A_837 : vector<64x512xi32>
    %sub3A_839 = arith.constant 1.000000e+00 : f32
    %sub3A_840 = vector.broadcast %sub3A_839 : f32 to vector<64x512xf32>
    %sub3A_841 = arith.subf %sub3A_840, %mul3A_835 : vector<64x512xf32>
    %select_n3A_842 = arith.select %eq3A_838, %sub3A_841, %mul3A_835 : vector<64x512xi1>, vector<64x512xf32>
    %mul3A_843 = arith.constant 1.024000e+03 : f32
    %mul3A_844 = vector.broadcast %mul3A_843 : f32 to vector<64x512xf32>
    %mul3A_845 = arith.mulf %select_n3A_842, %mul3A_844 : vector<64x512xf32>
    %convert_element_type3A_846 = arith.fptosi %mul3A_845 : vector<64x512xf32> to vector<64x512xi32>
    %min3A_847 = arith.constant 1023 : i32
    %min3A_848 = vector.broadcast %min3A_847 : i32 to vector<64x512xi32>
    %min3A_849 = arith.minsi %convert_element_type3A_846, %min3A_848 : vector<64x512xi32>
    %jit3A_850 = arith.constant 32768 : i32
    %jit3A_851 = arith.constant 11264 : i32
    %broadcast_in_dim3A_852 = vector.broadcast %jit3A_850 : i32 to vector<64x512xi32>
    %broadcast_in_dim3A_853 = vector.broadcast %jit3A_851 : i32 to vector<64x512xi32>
    %select_n3A_854 = arith.select %eq3A_838, %broadcast_in_dim3A_852, %broadcast_in_dim3A_853 : vector<64x512xi1>, vector<64x512xi32>
    %add3A_855 = arith.addi %min3A_849, %select_n3A_854 : vector<64x512xi32>
    %reshape3A_856 = vector.shape_cast %add3A_855 : vector<64x512xi32> to vector<256x128xi32>
    %swap3A_857 = arith.constant 0 : index
    %swap3A_858 = arith.constant 11 : index
    %swap3A_859 = arith.constant 0 : index
    %swap3A_860 = arith.constant 0 : index
    %swap3A_861 = vector.load %arg4[%swap3A_857, %swap3A_858, %swap3A_859, %swap3A_860] : memref<1x21x256x128xi32, #tpu.memory_space<vmem>>, vector<1x1x256x128xi32>
    %swap3A_862 = vector.shape_cast %swap3A_861 : vector<1x1x256x128xi32> to vector<256x128xi32>
    %swap3A_863 = vector.shape_cast %reshape3A_856 : vector<256x128xi32> to vector<1x1x256x128xi32>
    tpu.vector_store %arg4[%swap3A_857, %swap3A_858, %swap3A_859, %swap3A_860], %swap3A_863 {strides = array<i32>} : memref<1x21x256x128xi32, #tpu.memory_space<vmem>>, vector<1x1x256x128xi32>,
    %get3A_864 = arith.constant 12 : index
    %get3A_865 = arith.constant 0 : index
    %get3A_866 = arith.constant 0 : index
    %get3A_867 = vector.load %arg5[%get3A_864, %get3A_865, %get3A_866] : memref<21x64x512xf32, #tpu.memory_space<vmem>>, vector<1x64x512xf32>
    %get3A_868 = vector.shape_cast %get3A_867 : vector<1x64x512xf32> to vector<64x512xf32>
    %mul3A_869 = arith.mulf %get3A_868, %div3A_462 : vector<64x512xf32>
    %eq3A_870 = arith.constant 12 : i32
    %eq3A_871 = vector.broadcast %eq3A_870 : i32 to vector<64x512xi32>
    %eq3A_872 = arith.cmpi eq, %get3A_3, %eq3A_871 : vector<64x512xi32>
    %sub3A_873 = arith.constant 1.000000e+00 : f32
    %sub3A_874 = vector.broadcast %sub3A_873 : f32 to vector<64x512xf32>
    %sub3A_875 = arith.subf %sub3A_874, %mul3A_869 : vector<64x512xf32>
    %select_n3A_876 = arith.select %eq3A_872, %sub3A_875, %mul3A_869 : vector<64x512xi1>, vector<64x512xf32>
    %mul3A_877 = arith.constant 1.024000e+03 : f32
    %mul3A_878 = vector.broadcast %mul3A_877 : f32 to vector<64x512xf32>
    %mul3A_879 = arith.mulf %select_n3A_876, %mul3A_878 : vector<64x512xf32>
    %convert_element_type3A_880 = arith.fptosi %mul3A_879 : vector<64x512xf32> to vector<64x512xi32>
    %min3A_881 = arith.constant 1023 : i32
    %min3A_882 = vector.broadcast %min3A_881 : i32 to vector<64x512xi32>
    %min3A_883 = arith.minsi %convert_element_type3A_880, %min3A_882 : vector<64x512xi32>
    %jit3A_884 = arith.constant 33792 : i32
    %jit3A_885 = arith.constant 12288 : i32
    %broadcast_in_dim3A_886 = vector.broadcast %jit3A_884 : i32 to vector<64x512xi32>
    %broadcast_in_dim3A_887 = vector.broadcast %jit3A_885 : i32 to vector<64x512xi32>
    %select_n3A_888 = arith.select %eq3A_872, %broadcast_in_dim3A_886, %broadcast_in_dim3A_887 : vector<64x512xi1>, vector<64x512xi32>
    %add3A_889 = arith.addi %min3A_883, %select_n3A_888 : vector<64x512xi32>
    %reshape3A_890 = vector.shape_cast %add3A_889 : vector<64x512xi32> to vector<256x128xi32>
    %swap3A_891 = arith.constant 0 : index
    %swap3A_892 = arith.constant 12 : index
    %swap3A_893 = arith.constant 0 : index
    %swap3A_894 = arith.constant 0 : index
    %swap3A_895 = vector.load %arg4[%swap3A_891, %swap3A_892, %swap3A_893, %swap3A_894] : memref<1x21x256x128xi32, #tpu.memory_space<vmem>>, vector<1x1x256x128xi32>
    %swap3A_896 = vector.shape_cast %swap3A_895 : vector<1x1x256x128xi32> to vector<256x128xi32>
    %swap3A_897 = vector.shape_cast %reshape3A_890 : vector<256x128xi32> to vector<1x1x256x128xi32>
    tpu.vector_store %arg4[%swap3A_891, %swap3A_892, %swap3A_893, %swap3A_894], %swap3A_897 {strides = array<i32>} : memref<1x21x256x128xi32, #tpu.memory_space<vmem>>, vector<1x1x256x128xi32>,
    %get3A_898 = arith.constant 13 : index
    %get3A_899 = arith.constant 0 : index
    %get3A_900 = arith.constant 0 : index
    %get3A_901 = vector.load %arg5[%get3A_898, %get3A_899, %get3A_900] : memref<21x64x512xf32, #tpu.memory_space<vmem>>, vector<1x64x512xf32>
    %get3A_902 = vector.shape_cast %get3A_901 : vector<1x64x512xf32> to vector<64x512xf32>
    %mul3A_903 = arith.mulf %get3A_902, %div3A_462 : vector<64x512xf32>
    %eq3A_904 = arith.constant 13 : i32
    %eq3A_905 = vector.broadcast %eq3A_904 : i32 to vector<64x512xi32>
    %eq3A_906 = arith.cmpi eq, %get3A_3, %eq3A_905 : vector<64x512xi32>
    %sub3A_907 = arith.constant 1.000000e+00 : f32
    %sub3A_908 = vector.broadcast %sub3A_907 : f32 to vector<64x512xf32>
    %sub3A_909 = arith.subf %sub3A_908, %mul3A_903 : vector<64x512xf32>
    %select_n3A_910 = arith.select %eq3A_906, %sub3A_909, %mul3A_903 : vector<64x512xi1>, vector<64x512xf32>
    %mul3A_911 = arith.constant 1.024000e+03 : f32
    %mul3A_912 = vector.broadcast %mul3A_911 : f32 to vector<64x512xf32>
    %mul3A_913 = arith.mulf %select_n3A_910, %mul3A_912 : vector<64x512xf32>
    %convert_element_type3A_914 = arith.fptosi %mul3A_913 : vector<64x512xf32> to vector<64x512xi32>
    %min3A_915 = arith.constant 1023 : i32
    %min3A_916 = vector.broadcast %min3A_915 : i32 to vector<64x512xi32>
    %min3A_917 = arith.minsi %convert_element_type3A_914, %min3A_916 : vector<64x512xi32>
    %jit3A_918 = arith.constant 34816 : i32
    %jit3A_919 = arith.constant 13312 : i32
    %broadcast_in_dim3A_920 = vector.broadcast %jit3A_918 : i32 to vector<64x512xi32>
    %broadcast_in_dim3A_921 = vector.broadcast %jit3A_919 : i32 to vector<64x512xi32>
    %select_n3A_922 = arith.select %eq3A_906, %broadcast_in_dim3A_920, %broadcast_in_dim3A_921 : vector<64x512xi1>, vector<64x512xi32>
    %add3A_923 = arith.addi %min3A_917, %select_n3A_922 : vector<64x512xi32>
    %reshape3A_924 = vector.shape_cast %add3A_923 : vector<64x512xi32> to vector<256x128xi32>
    %swap3A_925 = arith.constant 0 : index
    %swap3A_926 = arith.constant 13 : index
    %swap3A_927 = arith.constant 0 : index
    %swap3A_928 = arith.constant 0 : index
    %swap3A_929 = vector.load %arg4[%swap3A_925, %swap3A_926, %swap3A_927, %swap3A_928] : memref<1x21x256x128xi32, #tpu.memory_space<vmem>>, vector<1x1x256x128xi32>
    %swap3A_930 = vector.shape_cast %swap3A_929 : vector<1x1x256x128xi32> to vector<256x128xi32>
    %swap3A_931 = vector.shape_cast %reshape3A_924 : vector<256x128xi32> to vector<1x1x256x128xi32>
    tpu.vector_store %arg4[%swap3A_925, %swap3A_926, %swap3A_927, %swap3A_928], %swap3A_931 {strides = array<i32>} : memref<1x21x256x128xi32, #tpu.memory_space<vmem>>, vector<1x1x256x128xi32>,
    %get3A_932 = arith.constant 14 : index
    %get3A_933 = arith.constant 0 : index
    %get3A_934 = arith.constant 0 : index
    %get3A_935 = vector.load %arg5[%get3A_932, %get3A_933, %get3A_934] : memref<21x64x512xf32, #tpu.memory_space<vmem>>, vector<1x64x512xf32>
    %get3A_936 = vector.shape_cast %get3A_935 : vector<1x64x512xf32> to vector<64x512xf32>
    %mul3A_937 = arith.mulf %get3A_936, %div3A_462 : vector<64x512xf32>
    %eq3A_938 = arith.constant 14 : i32
    %eq3A_939 = vector.broadcast %eq3A_938 : i32 to vector<64x512xi32>
    %eq3A_940 = arith.cmpi eq, %get3A_3, %eq3A_939 : vector<64x512xi32>
    %sub3A_941 = arith.constant 1.000000e+00 : f32
    %sub3A_942 = vector.broadcast %sub3A_941 : f32 to vector<64x512xf32>
    %sub3A_943 = arith.subf %sub3A_942, %mul3A_937 : vector<64x512xf32>
    %select_n3A_944 = arith.select %eq3A_940, %sub3A_943, %mul3A_937 : vector<64x512xi1>, vector<64x512xf32>
    %mul3A_945 = arith.constant 1.024000e+03 : f32
    %mul3A_946 = vector.broadcast %mul3A_945 : f32 to vector<64x512xf32>
    %mul3A_947 = arith.mulf %select_n3A_944, %mul3A_946 : vector<64x512xf32>
    %convert_element_type3A_948 = arith.fptosi %mul3A_947 : vector<64x512xf32> to vector<64x512xi32>
    %min3A_949 = arith.constant 1023 : i32
    %min3A_950 = vector.broadcast %min3A_949 : i32 to vector<64x512xi32>
    %min3A_951 = arith.minsi %convert_element_type3A_948, %min3A_950 : vector<64x512xi32>
    %jit3A_952 = arith.constant 35840 : i32
    %jit3A_953 = arith.constant 14336 : i32
    %broadcast_in_dim3A_954 = vector.broadcast %jit3A_952 : i32 to vector<64x512xi32>
    %broadcast_in_dim3A_955 = vector.broadcast %jit3A_953 : i32 to vector<64x512xi32>
    %select_n3A_956 = arith.select %eq3A_940, %broadcast_in_dim3A_954, %broadcast_in_dim3A_955 : vector<64x512xi1>, vector<64x512xi32>
    %add3A_957 = arith.addi %min3A_951, %select_n3A_956 : vector<64x512xi32>
    %reshape3A_958 = vector.shape_cast %add3A_957 : vector<64x512xi32> to vector<256x128xi32>
    %swap3A_959 = arith.constant 0 : index
    %swap3A_960 = arith.constant 14 : index
    %swap3A_961 = arith.constant 0 : index
    %swap3A_962 = arith.constant 0 : index
    %swap3A_963 = vector.load %arg4[%swap3A_959, %swap3A_960, %swap3A_961, %swap3A_962] : memref<1x21x256x128xi32, #tpu.memory_space<vmem>>, vector<1x1x256x128xi32>
    %swap3A_964 = vector.shape_cast %swap3A_963 : vector<1x1x256x128xi32> to vector<256x128xi32>
    %swap3A_965 = vector.shape_cast %reshape3A_958 : vector<256x128xi32> to vector<1x1x256x128xi32>
    tpu.vector_store %arg4[%swap3A_959, %swap3A_960, %swap3A_961, %swap3A_962], %swap3A_965 {strides = array<i32>} : memref<1x21x256x128xi32, #tpu.memory_space<vmem>>, vector<1x1x256x128xi32>,
    %get3A_966 = arith.constant 15 : index
    %get3A_967 = arith.constant 0 : index
    %get3A_968 = arith.constant 0 : index
    %get3A_969 = vector.load %arg5[%get3A_966, %get3A_967, %get3A_968] : memref<21x64x512xf32, #tpu.memory_space<vmem>>, vector<1x64x512xf32>
    %get3A_970 = vector.shape_cast %get3A_969 : vector<1x64x512xf32> to vector<64x512xf32>
    %mul3A_971 = arith.mulf %get3A_970, %div3A_462 : vector<64x512xf32>
    %eq3A_972 = arith.constant 15 : i32
    %eq3A_973 = vector.broadcast %eq3A_972 : i32 to vector<64x512xi32>
    %eq3A_974 = arith.cmpi eq, %get3A_3, %eq3A_973 : vector<64x512xi32>
    %sub3A_975 = arith.constant 1.000000e+00 : f32
    %sub3A_976 = vector.broadcast %sub3A_975 : f32 to vector<64x512xf32>
    %sub3A_977 = arith.subf %sub3A_976, %mul3A_971 : vector<64x512xf32>
    %select_n3A_978 = arith.select %eq3A_974, %sub3A_977, %mul3A_971 : vector<64x512xi1>, vector<64x512xf32>
    %mul3A_979 = arith.constant 1.024000e+03 : f32
    %mul3A_980 = vector.broadcast %mul3A_979 : f32 to vector<64x512xf32>
    %mul3A_981 = arith.mulf %select_n3A_978, %mul3A_980 : vector<64x512xf32>
    %convert_element_type3A_982 = arith.fptosi %mul3A_981 : vector<64x512xf32> to vector<64x512xi32>
    %min3A_983 = arith.constant 1023 : i32
    %min3A_984 = vector.broadcast %min3A_983 : i32 to vector<64x512xi32>
    %min3A_985 = arith.minsi %convert_element_type3A_982, %min3A_984 : vector<64x512xi32>
    %jit3A_986 = arith.constant 36864 : i32
    %jit3A_987 = arith.constant 15360 : i32
    %broadcast_in_dim3A_988 = vector.broadcast %jit3A_986 : i32 to vector<64x512xi32>
    %broadcast_in_dim3A_989 = vector.broadcast %jit3A_987 : i32 to vector<64x512xi32>
    %select_n3A_990 = arith.select %eq3A_974, %broadcast_in_dim3A_988, %broadcast_in_dim3A_989 : vector<64x512xi1>, vector<64x512xi32>
    %add3A_991 = arith.addi %min3A_985, %select_n3A_990 : vector<64x512xi32>
    %reshape3A_992 = vector.shape_cast %add3A_991 : vector<64x512xi32> to vector<256x128xi32>
    %swap3A_993 = arith.constant 0 : index
    %swap3A_994 = arith.constant 15 : index
    %swap3A_995 = arith.constant 0 : index
    %swap3A_996 = arith.constant 0 : index
    %swap3A_997 = vector.load %arg4[%swap3A_993, %swap3A_994, %swap3A_995, %swap3A_996] : memref<1x21x256x128xi32, #tpu.memory_space<vmem>>, vector<1x1x256x128xi32>
    %swap3A_998 = vector.shape_cast %swap3A_997 : vector<1x1x256x128xi32> to vector<256x128xi32>
    %swap3A_999 = vector.shape_cast %reshape3A_992 : vector<256x128xi32> to vector<1x1x256x128xi32>
    tpu.vector_store %arg4[%swap3A_993, %swap3A_994, %swap3A_995, %swap3A_996], %swap3A_999 {strides = array<i32>} : memref<1x21x256x128xi32, #tpu.memory_space<vmem>>, vector<1x1x256x128xi32>,
    %get3A_1000 = arith.constant 16 : index
    %get3A_1001 = arith.constant 0 : index
    %get3A_1002 = arith.constant 0 : index
    %get3A_1003 = vector.load %arg5[%get3A_1000, %get3A_1001, %get3A_1002] : memref<21x64x512xf32, #tpu.memory_space<vmem>>, vector<1x64x512xf32>
    %get3A_1004 = vector.shape_cast %get3A_1003 : vector<1x64x512xf32> to vector<64x512xf32>
    %mul3A_1005 = arith.mulf %get3A_1004, %div3A_462 : vector<64x512xf32>
    %eq3A_1006 = arith.constant 16 : i32
    %eq3A_1007 = vector.broadcast %eq3A_1006 : i32 to vector<64x512xi32>
    %eq3A_1008 = arith.cmpi eq, %get3A_3, %eq3A_1007 : vector<64x512xi32>
    %sub3A_1009 = arith.constant 1.000000e+00 : f32
    %sub3A_1010 = vector.broadcast %sub3A_1009 : f32 to vector<64x512xf32>
    %sub3A_1011 = arith.subf %sub3A_1010, %mul3A_1005 : vector<64x512xf32>
    %select_n3A_1012 = arith.select %eq3A_1008, %sub3A_1011, %mul3A_1005 : vector<64x512xi1>, vector<64x512xf32>
    %mul3A_1013 = arith.constant 1.024000e+03 : f32
    %mul3A_1014 = vector.broadcast %mul3A_1013 : f32 to vector<64x512xf32>
    %mul3A_1015 = arith.mulf %select_n3A_1012, %mul3A_1014 : vector<64x512xf32>
    %convert_element_type3A_1016 = arith.fptosi %mul3A_1015 : vector<64x512xf32> to vector<64x512xi32>
    %min3A_1017 = arith.constant 1023 : i32
    %min3A_1018 = vector.broadcast %min3A_1017 : i32 to vector<64x512xi32>
    %min3A_1019 = arith.minsi %convert_element_type3A_1016, %min3A_1018 : vector<64x512xi32>
    %jit3A_1020 = arith.constant 37888 : i32
    %jit3A_1021 = arith.constant 16384 : i32
    %broadcast_in_dim3A_1022 = vector.broadcast %jit3A_1020 : i32 to vector<64x512xi32>
    %broadcast_in_dim3A_1023 = vector.broadcast %jit3A_1021 : i32 to vector<64x512xi32>
    %select_n3A_1024 = arith.select %eq3A_1008, %broadcast_in_dim3A_1022, %broadcast_in_dim3A_1023 : vector<64x512xi1>, vector<64x512xi32>
    %add3A_1025 = arith.addi %min3A_1019, %select_n3A_1024 : vector<64x512xi32>
    %reshape3A_1026 = vector.shape_cast %add3A_1025 : vector<64x512xi32> to vector<256x128xi32>
    %swap3A_1027 = arith.constant 0 : index
    %swap3A_1028 = arith.constant 16 : index
    %swap3A_1029 = arith.constant 0 : index
    %swap3A_1030 = arith.constant 0 : index
    %swap3A_1031 = vector.load %arg4[%swap3A_1027, %swap3A_1028, %swap3A_1029, %swap3A_1030] : memref<1x21x256x128xi32, #tpu.memory_space<vmem>>, vector<1x1x256x128xi32>
    %swap3A_1032 = vector.shape_cast %swap3A_1031 : vector<1x1x256x128xi32> to vector<256x128xi32>
    %swap3A_1033 = vector.shape_cast %reshape3A_1026 : vector<256x128xi32> to vector<1x1x256x128xi32>
    tpu.vector_store %arg4[%swap3A_1027, %swap3A_1028, %swap3A_1029, %swap3A_1030], %swap3A_1033 {strides = array<i32>} : memref<1x21x256x128xi32, #tpu.memory_space<vmem>>, vector<1x1x256x128xi32>,
    %get3A_1034 = arith.constant 17 : index
    %get3A_1035 = arith.constant 0 : index
    %get3A_1036 = arith.constant 0 : index
    %get3A_1037 = vector.load %arg5[%get3A_1034, %get3A_1035, %get3A_1036] : memref<21x64x512xf32, #tpu.memory_space<vmem>>, vector<1x64x512xf32>
    %get3A_1038 = vector.shape_cast %get3A_1037 : vector<1x64x512xf32> to vector<64x512xf32>
    %mul3A_1039 = arith.mulf %get3A_1038, %div3A_462 : vector<64x512xf32>
    %eq3A_1040 = arith.constant 17 : i32
    %eq3A_1041 = vector.broadcast %eq3A_1040 : i32 to vector<64x512xi32>
    %eq3A_1042 = arith.cmpi eq, %get3A_3, %eq3A_1041 : vector<64x512xi32>
    %sub3A_1043 = arith.constant 1.000000e+00 : f32
    %sub3A_1044 = vector.broadcast %sub3A_1043 : f32 to vector<64x512xf32>
    %sub3A_1045 = arith.subf %sub3A_1044, %mul3A_1039 : vector<64x512xf32>
    %select_n3A_1046 = arith.select %eq3A_1042, %sub3A_1045, %mul3A_1039 : vector<64x512xi1>, vector<64x512xf32>
    %mul3A_1047 = arith.constant 1.024000e+03 : f32
    %mul3A_1048 = vector.broadcast %mul3A_1047 : f32 to vector<64x512xf32>
    %mul3A_1049 = arith.mulf %select_n3A_1046, %mul3A_1048 : vector<64x512xf32>
    %convert_element_type3A_1050 = arith.fptosi %mul3A_1049 : vector<64x512xf32> to vector<64x512xi32>
    %min3A_1051 = arith.constant 1023 : i32
    %min3A_1052 = vector.broadcast %min3A_1051 : i32 to vector<64x512xi32>
    %min3A_1053 = arith.minsi %convert_element_type3A_1050, %min3A_1052 : vector<64x512xi32>
    %jit3A_1054 = arith.constant 38912 : i32
    %jit3A_1055 = arith.constant 17408 : i32
    %broadcast_in_dim3A_1056 = vector.broadcast %jit3A_1054 : i32 to vector<64x512xi32>
    %broadcast_in_dim3A_1057 = vector.broadcast %jit3A_1055 : i32 to vector<64x512xi32>
    %select_n3A_1058 = arith.select %eq3A_1042, %broadcast_in_dim3A_1056, %broadcast_in_dim3A_1057 : vector<64x512xi1>, vector<64x512xi32>
    %add3A_1059 = arith.addi %min3A_1053, %select_n3A_1058 : vector<64x512xi32>
    %reshape3A_1060 = vector.shape_cast %add3A_1059 : vector<64x512xi32> to vector<256x128xi32>
    %swap3A_1061 = arith.constant 0 : index
    %swap3A_1062 = arith.constant 17 : index
    %swap3A_1063 = arith.constant 0 : index
    %swap3A_1064 = arith.constant 0 : index
    %swap3A_1065 = vector.load %arg4[%swap3A_1061, %swap3A_1062, %swap3A_1063, %swap3A_1064] : memref<1x21x256x128xi32, #tpu.memory_space<vmem>>, vector<1x1x256x128xi32>
    %swap3A_1066 = vector.shape_cast %swap3A_1065 : vector<1x1x256x128xi32> to vector<256x128xi32>
    %swap3A_1067 = vector.shape_cast %reshape3A_1060 : vector<256x128xi32> to vector<1x1x256x128xi32>
    tpu.vector_store %arg4[%swap3A_1061, %swap3A_1062, %swap3A_1063, %swap3A_1064], %swap3A_1067 {strides = array<i32>} : memref<1x21x256x128xi32, #tpu.memory_space<vmem>>, vector<1x1x256x128xi32>,
    %get3A_1068 = arith.constant 18 : index
    %get3A_1069 = arith.constant 0 : index
    %get3A_1070 = arith.constant 0 : index
    %get3A_1071 = vector.load %arg5[%get3A_1068, %get3A_1069, %get3A_1070] : memref<21x64x512xf32, #tpu.memory_space<vmem>>, vector<1x64x512xf32>
    %get3A_1072 = vector.shape_cast %get3A_1071 : vector<1x64x512xf32> to vector<64x512xf32>
    %mul3A_1073 = arith.mulf %get3A_1072, %div3A_462 : vector<64x512xf32>
    %eq3A_1074 = arith.constant 18 : i32
    %eq3A_1075 = vector.broadcast %eq3A_1074 : i32 to vector<64x512xi32>
    %eq3A_1076 = arith.cmpi eq, %get3A_3, %eq3A_1075 : vector<64x512xi32>
    %sub3A_1077 = arith.constant 1.000000e+00 : f32
    %sub3A_1078 = vector.broadcast %sub3A_1077 : f32 to vector<64x512xf32>
    %sub3A_1079 = arith.subf %sub3A_1078, %mul3A_1073 : vector<64x512xf32>
    %select_n3A_1080 = arith.select %eq3A_1076, %sub3A_1079, %mul3A_1073 : vector<64x512xi1>, vector<64x512xf32>
    %mul3A_1081 = arith.constant 1.024000e+03 : f32
    %mul3A_1082 = vector.broadcast %mul3A_1081 : f32 to vector<64x512xf32>
    %mul3A_1083 = arith.mulf %select_n3A_1080, %mul3A_1082 : vector<64x512xf32>
    %convert_element_type3A_1084 = arith.fptosi %mul3A_1083 : vector<64x512xf32> to vector<64x512xi32>
    %min3A_1085 = arith.constant 1023 : i32
    %min3A_1086 = vector.broadcast %min3A_1085 : i32 to vector<64x512xi32>
    %min3A_1087 = arith.minsi %convert_element_type3A_1084, %min3A_1086 : vector<64x512xi32>
    %jit3A_1088 = arith.constant 39936 : i32
    %jit3A_1089 = arith.constant 18432 : i32
    %broadcast_in_dim3A_1090 = vector.broadcast %jit3A_1088 : i32 to vector<64x512xi32>
    %broadcast_in_dim3A_1091 = vector.broadcast %jit3A_1089 : i32 to vector<64x512xi32>
    %select_n3A_1092 = arith.select %eq3A_1076, %broadcast_in_dim3A_1090, %broadcast_in_dim3A_1091 : vector<64x512xi1>, vector<64x512xi32>
    %add3A_1093 = arith.addi %min3A_1087, %select_n3A_1092 : vector<64x512xi32>
    %reshape3A_1094 = vector.shape_cast %add3A_1093 : vector<64x512xi32> to vector<256x128xi32>
    %swap3A_1095 = arith.constant 0 : index
    %swap3A_1096 = arith.constant 18 : index
    %swap3A_1097 = arith.constant 0 : index
    %swap3A_1098 = arith.constant 0 : index
    %swap3A_1099 = vector.load %arg4[%swap3A_1095, %swap3A_1096, %swap3A_1097, %swap3A_1098] : memref<1x21x256x128xi32, #tpu.memory_space<vmem>>, vector<1x1x256x128xi32>
    %swap3A_1100 = vector.shape_cast %swap3A_1099 : vector<1x1x256x128xi32> to vector<256x128xi32>
    %swap3A_1101 = vector.shape_cast %reshape3A_1094 : vector<256x128xi32> to vector<1x1x256x128xi32>
    tpu.vector_store %arg4[%swap3A_1095, %swap3A_1096, %swap3A_1097, %swap3A_1098], %swap3A_1101 {strides = array<i32>} : memref<1x21x256x128xi32, #tpu.memory_space<vmem>>, vector<1x1x256x128xi32>,
    %get3A_1102 = arith.constant 19 : index
    %get3A_1103 = arith.constant 0 : index
    %get3A_1104 = arith.constant 0 : index
    %get3A_1105 = vector.load %arg5[%get3A_1102, %get3A_1103, %get3A_1104] : memref<21x64x512xf32, #tpu.memory_space<vmem>>, vector<1x64x512xf32>
    %get3A_1106 = vector.shape_cast %get3A_1105 : vector<1x64x512xf32> to vector<64x512xf32>
    %mul3A_1107 = arith.mulf %get3A_1106, %div3A_462 : vector<64x512xf32>
    %eq3A_1108 = arith.constant 19 : i32
    %eq3A_1109 = vector.broadcast %eq3A_1108 : i32 to vector<64x512xi32>
    %eq3A_1110 = arith.cmpi eq, %get3A_3, %eq3A_1109 : vector<64x512xi32>
    %sub3A_1111 = arith.constant 1.000000e+00 : f32
    %sub3A_1112 = vector.broadcast %sub3A_1111 : f32 to vector<64x512xf32>
    %sub3A_1113 = arith.subf %sub3A_1112, %mul3A_1107 : vector<64x512xf32>
    %select_n3A_1114 = arith.select %eq3A_1110, %sub3A_1113, %mul3A_1107 : vector<64x512xi1>, vector<64x512xf32>
    %mul3A_1115 = arith.constant 1.024000e+03 : f32
    %mul3A_1116 = vector.broadcast %mul3A_1115 : f32 to vector<64x512xf32>
    %mul3A_1117 = arith.mulf %select_n3A_1114, %mul3A_1116 : vector<64x512xf32>
    %convert_element_type3A_1118 = arith.fptosi %mul3A_1117 : vector<64x512xf32> to vector<64x512xi32>
    %min3A_1119 = arith.constant 1023 : i32
    %min3A_1120 = vector.broadcast %min3A_1119 : i32 to vector<64x512xi32>
    %min3A_1121 = arith.minsi %convert_element_type3A_1118, %min3A_1120 : vector<64x512xi32>
    %jit3A_1122 = arith.constant 40960 : i32
    %jit3A_1123 = arith.constant 19456 : i32
    %broadcast_in_dim3A_1124 = vector.broadcast %jit3A_1122 : i32 to vector<64x512xi32>
    %broadcast_in_dim3A_1125 = vector.broadcast %jit3A_1123 : i32 to vector<64x512xi32>
    %select_n3A_1126 = arith.select %eq3A_1110, %broadcast_in_dim3A_1124, %broadcast_in_dim3A_1125 : vector<64x512xi1>, vector<64x512xi32>
    %add3A_1127 = arith.addi %min3A_1121, %select_n3A_1126 : vector<64x512xi32>
    %reshape3A_1128 = vector.shape_cast %add3A_1127 : vector<64x512xi32> to vector<256x128xi32>
    %swap3A_1129 = arith.constant 0 : index
    %swap3A_1130 = arith.constant 19 : index
    %swap3A_1131 = arith.constant 0 : index
    %swap3A_1132 = arith.constant 0 : index
    %swap3A_1133 = vector.load %arg4[%swap3A_1129, %swap3A_1130, %swap3A_1131, %swap3A_1132] : memref<1x21x256x128xi32, #tpu.memory_space<vmem>>, vector<1x1x256x128xi32>
    %swap3A_1134 = vector.shape_cast %swap3A_1133 : vector<1x1x256x128xi32> to vector<256x128xi32>
    %swap3A_1135 = vector.shape_cast %reshape3A_1128 : vector<256x128xi32> to vector<1x1x256x128xi32>
    tpu.vector_store %arg4[%swap3A_1129, %swap3A_1130, %swap3A_1131, %swap3A_1132], %swap3A_1135 {strides = array<i32>} : memref<1x21x256x128xi32, #tpu.memory_space<vmem>>, vector<1x1x256x128xi32>,
    %get3A_1136 = arith.constant 20 : index
    %get3A_1137 = arith.constant 0 : index
    %get3A_1138 = arith.constant 0 : index
    %get3A_1139 = vector.load %arg5[%get3A_1136, %get3A_1137, %get3A_1138] : memref<21x64x512xf32, #tpu.memory_space<vmem>>, vector<1x64x512xf32>
    %get3A_1140 = vector.shape_cast %get3A_1139 : vector<1x64x512xf32> to vector<64x512xf32>
    %mul3A_1141 = arith.mulf %get3A_1140, %div3A_462 : vector<64x512xf32>
    %eq3A_1142 = arith.constant 20 : i32
    %eq3A_1143 = vector.broadcast %eq3A_1142 : i32 to vector<64x512xi32>
    %eq3A_1144 = arith.cmpi eq, %get3A_3, %eq3A_1143 : vector<64x512xi32>
    %sub3A_1145 = arith.constant 1.000000e+00 : f32
    %sub3A_1146 = vector.broadcast %sub3A_1145 : f32 to vector<64x512xf32>
    %sub3A_1147 = arith.subf %sub3A_1146, %mul3A_1141 : vector<64x512xf32>
    %select_n3A_1148 = arith.select %eq3A_1144, %sub3A_1147, %mul3A_1141 : vector<64x512xi1>, vector<64x512xf32>
    %mul3A_1149 = arith.constant 1.024000e+03 : f32
    %mul3A_1150 = vector.broadcast %mul3A_1149 : f32 to vector<64x512xf32>
    %mul3A_1151 = arith.mulf %select_n3A_1148, %mul3A_1150 : vector<64x512xf32>
    %convert_element_type3A_1152 = arith.fptosi %mul3A_1151 : vector<64x512xf32> to vector<64x512xi32>
    %min3A_1153 = arith.constant 1023 : i32
    %min3A_1154 = vector.broadcast %min3A_1153 : i32 to vector<64x512xi32>
    %min3A_1155 = arith.minsi %convert_element_type3A_1152, %min3A_1154 : vector<64x512xi32>
    %jit3A_1156 = arith.constant 41984 : i32
    %jit3A_1157 = arith.constant 20480 : i32
    %broadcast_in_dim3A_1158 = vector.broadcast %jit3A_1156 : i32 to vector<64x512xi32>
    %broadcast_in_dim3A_1159 = vector.broadcast %jit3A_1157 : i32 to vector<64x512xi32>
    %select_n3A_1160 = arith.select %eq3A_1144, %broadcast_in_dim3A_1158, %broadcast_in_dim3A_1159 : vector<64x512xi1>, vector<64x512xi32>
    %add3A_1161 = arith.addi %min3A_1155, %select_n3A_1160 : vector<64x512xi32>
    %reshape3A_1162 = vector.shape_cast %add3A_1161 : vector<64x512xi32> to vector<256x128xi32>
    %swap3A_1163 = arith.constant 0 : index
    %swap3A_1164 = arith.constant 20 : index
    %swap3A_1165 = arith.constant 0 : index
    %swap3A_1166 = arith.constant 0 : index
    %swap3A_1167 = vector.load %arg4[%swap3A_1163, %swap3A_1164, %swap3A_1165, %swap3A_1166] : memref<1x21x256x128xi32, #tpu.memory_space<vmem>>, vector<1x1x256x128xi32>
    %swap3A_1168 = vector.shape_cast %swap3A_1167 : vector<1x1x256x128xi32> to vector<256x128xi32>
    %swap3A_1169 = vector.shape_cast %reshape3A_1162 : vector<256x128xi32> to vector<1x1x256x128xi32>
    tpu.vector_store %arg4[%swap3A_1163, %swap3A_1164, %swap3A_1165, %swap3A_1166], %swap3A_1169 {strides = array<i32>} : memref<1x21x256x128xi32, #tpu.memory_space<vmem>>, vector<1x1x256x128xi32>,
    return
  }
  func.func @transform_0(%arg0: i32, %arg1: i32) -> (i32, i32, i32, i32) {
    %c0_i32 = arith.constant 0 : i32
    %c0_i32_0 = arith.constant 0 : i32
    %c0_i32_1 = arith.constant 0 : i32
    return %arg0, %c0_i32, %arg1, %c0_i32_0 : i32, i32, i32, i32
  }
  func.func @transform_1(%arg0: i32, %arg1: i32) -> (i32, i32, i32) {
    %c0_i32 = arith.constant 0 : i32
    %c0_i32_0 = arith.constant 0 : i32
    return %arg0, %arg1, %c0_i32 : i32, i32, i32
  }
  func.func @transform_2(%arg0: i32, %arg1: i32) -> (i32, i32, i32, i32) {
    %c0_i32 = arith.constant 0 : i32
    %c0_i32_0 = arith.constant 0 : i32
    %c0_i32_1 = arith.constant 0 : i32
    return %arg0, %c0_i32, %arg1, %c0_i32_0 : i32, i32, i32, i32
  }
}

module attributes {stable_mosaic.version = 14 : i64} {
  func.func @_tc_final_kernel(%arg0: memref<64x42x1024xf32, #tpu.memory_space<vmem>>, %arg1: memref<1x1024xf32, #tpu.memory_space<vmem>>, %arg2: memref<1x1xf32, #tpu.memory_space<vmem>>) attributes {dimension_semantics = [], scalar_prefetch = 0 : i64, scratch_operands = 0 : i64, tpu.core_type = #tpu.core_type<tc>} {
    %get3A = arith.constant 0 : index
    %get3A_0 = arith.constant 0 : index
    %get3A_1 = arith.constant 0 : index
    %get3A_2 = vector.load %arg0[%get3A, %get3A_0, %get3A_1] : memref<64x42x1024xf32, #tpu.memory_space<vmem>>, vector<64x42x1024xf32>
    %reduce_sum3A = arith.constant dense<0.000000e+00> : vector<42x1024xf32>
    %reduce_sum3A_3 = vector.multi_reduction <add>, %get3A_2, %reduce_sum3A [0] : vector<64x42x1024xf32> to vector<42x1024xf32>
    %slice3A = vector.extract_strided_slice %reduce_sum3A_3 {offsets = [0, 0], sizes = [21, 1024], strides = [1, 1]} : vector<42x1024xf32> to vector<21x1024xf32>
    %slice3A_4 = vector.extract_strided_slice %reduce_sum3A_3 {offsets = [21, 0], sizes = [21, 1024], strides = [1, 1]} : vector<42x1024xf32> to vector<21x1024xf32>
    %add3A = arith.addf %slice3A, %slice3A_4 : vector<21x1024xf32>
    %slice3A_5 = vector.extract_strided_slice %add3A {offsets = [0, 1], sizes = [21, 1023], strides = [1, 1]} : vector<21x1024xf32> to vector<21x1023xf32>
    %broadcast_in_dim3A = arith.constant 0.000000e+00 : f32
    %broadcast_in_dim3A_6 = vector.broadcast %broadcast_in_dim3A : f32 to vector<21x1xf32>
    %concatenate3A = tpu.concatenate %slice3A_5, %broadcast_in_dim3A_6 in 1 : vector<21x1023xf32>, vector<21x1xf32> -> vector<21x1024xf32>
    %add3A_7 = arith.addf %add3A, %concatenate3A : vector<21x1024xf32>
    %slice3A_8 = vector.extract_strided_slice %add3A_7 {offsets = [0, 2], sizes = [21, 1022], strides = [1, 1]} : vector<21x1024xf32> to vector<21x1022xf32>
    %broadcast_in_dim3A_9 = arith.constant 0.000000e+00 : f32
    %broadcast_in_dim3A_10 = vector.broadcast %broadcast_in_dim3A_9 : f32 to vector<21x2xf32>
    %concatenate3A_11 = tpu.concatenate %slice3A_8, %broadcast_in_dim3A_10 in 1 : vector<21x1022xf32>, vector<21x2xf32> -> vector<21x1024xf32>
    %add3A_12 = arith.addf %add3A_7, %concatenate3A_11 : vector<21x1024xf32>
    %slice3A_13 = vector.extract_strided_slice %add3A_12 {offsets = [0, 4], sizes = [21, 1020], strides = [1, 1]} : vector<21x1024xf32> to vector<21x1020xf32>
    %broadcast_in_dim3A_14 = arith.constant 0.000000e+00 : f32
    %broadcast_in_dim3A_15 = vector.broadcast %broadcast_in_dim3A_14 : f32 to vector<21x4xf32>
    %concatenate3A_16 = tpu.concatenate %slice3A_13, %broadcast_in_dim3A_15 in 1 : vector<21x1020xf32>, vector<21x4xf32> -> vector<21x1024xf32>
    %add3A_17 = arith.addf %add3A_12, %concatenate3A_16 : vector<21x1024xf32>
    %slice3A_18 = vector.extract_strided_slice %add3A_17 {offsets = [0, 8], sizes = [21, 1016], strides = [1, 1]} : vector<21x1024xf32> to vector<21x1016xf32>
    %broadcast_in_dim3A_19 = arith.constant 0.000000e+00 : f32
    %broadcast_in_dim3A_20 = vector.broadcast %broadcast_in_dim3A_19 : f32 to vector<21x8xf32>
    %concatenate3A_21 = tpu.concatenate %slice3A_18, %broadcast_in_dim3A_20 in 1 : vector<21x1016xf32>, vector<21x8xf32> -> vector<21x1024xf32>
    %add3A_22 = arith.addf %add3A_17, %concatenate3A_21 : vector<21x1024xf32>
    %slice3A_23 = vector.extract_strided_slice %add3A_22 {offsets = [0, 16], sizes = [21, 1008], strides = [1, 1]} : vector<21x1024xf32> to vector<21x1008xf32>
    %broadcast_in_dim3A_24 = arith.constant 0.000000e+00 : f32
    %broadcast_in_dim3A_25 = vector.broadcast %broadcast_in_dim3A_24 : f32 to vector<21x16xf32>
    %concatenate3A_26 = tpu.concatenate %slice3A_23, %broadcast_in_dim3A_25 in 1 : vector<21x1008xf32>, vector<21x16xf32> -> vector<21x1024xf32>
    %add3A_27 = arith.addf %add3A_22, %concatenate3A_26 : vector<21x1024xf32>
    %slice3A_28 = vector.extract_strided_slice %add3A_27 {offsets = [0, 32], sizes = [21, 992], strides = [1, 1]} : vector<21x1024xf32> to vector<21x992xf32>
    %broadcast_in_dim3A_29 = arith.constant 0.000000e+00 : f32
    %broadcast_in_dim3A_30 = vector.broadcast %broadcast_in_dim3A_29 : f32 to vector<21x32xf32>
    %concatenate3A_31 = tpu.concatenate %slice3A_28, %broadcast_in_dim3A_30 in 1 : vector<21x992xf32>, vector<21x32xf32> -> vector<21x1024xf32>
    %add3A_32 = arith.addf %add3A_27, %concatenate3A_31 : vector<21x1024xf32>
    %slice3A_33 = vector.extract_strided_slice %add3A_32 {offsets = [0, 64], sizes = [21, 960], strides = [1, 1]} : vector<21x1024xf32> to vector<21x960xf32>
    %broadcast_in_dim3A_34 = arith.constant 0.000000e+00 : f32
    %broadcast_in_dim3A_35 = vector.broadcast %broadcast_in_dim3A_34 : f32 to vector<21x64xf32>
    %concatenate3A_36 = tpu.concatenate %slice3A_33, %broadcast_in_dim3A_35 in 1 : vector<21x960xf32>, vector<21x64xf32> -> vector<21x1024xf32>
    %add3A_37 = arith.addf %add3A_32, %concatenate3A_36 : vector<21x1024xf32>
    %slice3A_38 = vector.extract_strided_slice %add3A_37 {offsets = [0, 128], sizes = [21, 896], strides = [1, 1]} : vector<21x1024xf32> to vector<21x896xf32>
    %broadcast_in_dim3A_39 = arith.constant 0.000000e+00 : f32
    %broadcast_in_dim3A_40 = vector.broadcast %broadcast_in_dim3A_39 : f32 to vector<21x128xf32>
    %concatenate3A_41 = tpu.concatenate %slice3A_38, %broadcast_in_dim3A_40 in 1 : vector<21x896xf32>, vector<21x128xf32> -> vector<21x1024xf32>
    %add3A_42 = arith.addf %add3A_37, %concatenate3A_41 : vector<21x1024xf32>
    %slice3A_43 = vector.extract_strided_slice %add3A_42 {offsets = [0, 256], sizes = [21, 768], strides = [1, 1]} : vector<21x1024xf32> to vector<21x768xf32>
    %broadcast_in_dim3A_44 = arith.constant 0.000000e+00 : f32
    %broadcast_in_dim3A_45 = vector.broadcast %broadcast_in_dim3A_44 : f32 to vector<21x256xf32>
    %concatenate3A_46 = tpu.concatenate %slice3A_43, %broadcast_in_dim3A_45 in 1 : vector<21x768xf32>, vector<21x256xf32> -> vector<21x1024xf32>
    %add3A_47 = arith.addf %add3A_42, %concatenate3A_46 : vector<21x1024xf32>
    %slice3A_48 = vector.extract_strided_slice %add3A_47 {offsets = [0, 512], sizes = [21, 512], strides = [1, 1]} : vector<21x1024xf32> to vector<21x512xf32>
    %broadcast_in_dim3A_49 = arith.constant 0.000000e+00 : f32
    %broadcast_in_dim3A_50 = vector.broadcast %broadcast_in_dim3A_49 : f32 to vector<21x512xf32>
    %concatenate3A_51 = tpu.concatenate %slice3A_48, %broadcast_in_dim3A_50 in 1 : vector<21x512xf32>, vector<21x512xf32> -> vector<21x1024xf32>
    %add3A_52 = arith.addf %add3A_47, %concatenate3A_51 : vector<21x1024xf32>
    %slice3A_53 = vector.extract_strided_slice %slice3A_4 {offsets = [0, 1], sizes = [21, 1023], strides = [1, 1]} : vector<21x1024xf32> to vector<21x1023xf32>
    %broadcast_in_dim3A_54 = arith.constant 0.000000e+00 : f32
    %broadcast_in_dim3A_55 = vector.broadcast %broadcast_in_dim3A_54 : f32 to vector<21x1xf32>
    %concatenate3A_56 = tpu.concatenate %slice3A_53, %broadcast_in_dim3A_55 in 1 : vector<21x1023xf32>, vector<21x1xf32> -> vector<21x1024xf32>
    %add3A_57 = arith.addf %slice3A_4, %concatenate3A_56 : vector<21x1024xf32>
    %slice3A_58 = vector.extract_strided_slice %add3A_57 {offsets = [0, 2], sizes = [21, 1022], strides = [1, 1]} : vector<21x1024xf32> to vector<21x1022xf32>
    %broadcast_in_dim3A_59 = arith.constant 0.000000e+00 : f32
    %broadcast_in_dim3A_60 = vector.broadcast %broadcast_in_dim3A_59 : f32 to vector<21x2xf32>
    %concatenate3A_61 = tpu.concatenate %slice3A_58, %broadcast_in_dim3A_60 in 1 : vector<21x1022xf32>, vector<21x2xf32> -> vector<21x1024xf32>
    %add3A_62 = arith.addf %add3A_57, %concatenate3A_61 : vector<21x1024xf32>
    %slice3A_63 = vector.extract_strided_slice %add3A_62 {offsets = [0, 4], sizes = [21, 1020], strides = [1, 1]} : vector<21x1024xf32> to vector<21x1020xf32>
    %broadcast_in_dim3A_64 = arith.constant 0.000000e+00 : f32
    %broadcast_in_dim3A_65 = vector.broadcast %broadcast_in_dim3A_64 : f32 to vector<21x4xf32>
    %concatenate3A_66 = tpu.concatenate %slice3A_63, %broadcast_in_dim3A_65 in 1 : vector<21x1020xf32>, vector<21x4xf32> -> vector<21x1024xf32>
    %add3A_67 = arith.addf %add3A_62, %concatenate3A_66 : vector<21x1024xf32>
    %slice3A_68 = vector.extract_strided_slice %add3A_67 {offsets = [0, 8], sizes = [21, 1016], strides = [1, 1]} : vector<21x1024xf32> to vector<21x1016xf32>
    %broadcast_in_dim3A_69 = arith.constant 0.000000e+00 : f32
    %broadcast_in_dim3A_70 = vector.broadcast %broadcast_in_dim3A_69 : f32 to vector<21x8xf32>
    %concatenate3A_71 = tpu.concatenate %slice3A_68, %broadcast_in_dim3A_70 in 1 : vector<21x1016xf32>, vector<21x8xf32> -> vector<21x1024xf32>
    %add3A_72 = arith.addf %add3A_67, %concatenate3A_71 : vector<21x1024xf32>
    %slice3A_73 = vector.extract_strided_slice %add3A_72 {offsets = [0, 16], sizes = [21, 1008], strides = [1, 1]} : vector<21x1024xf32> to vector<21x1008xf32>
    %broadcast_in_dim3A_74 = arith.constant 0.000000e+00 : f32
    %broadcast_in_dim3A_75 = vector.broadcast %broadcast_in_dim3A_74 : f32 to vector<21x16xf32>
    %concatenate3A_76 = tpu.concatenate %slice3A_73, %broadcast_in_dim3A_75 in 1 : vector<21x1008xf32>, vector<21x16xf32> -> vector<21x1024xf32>
    %add3A_77 = arith.addf %add3A_72, %concatenate3A_76 : vector<21x1024xf32>
    %slice3A_78 = vector.extract_strided_slice %add3A_77 {offsets = [0, 32], sizes = [21, 992], strides = [1, 1]} : vector<21x1024xf32> to vector<21x992xf32>
    %broadcast_in_dim3A_79 = arith.constant 0.000000e+00 : f32
    %broadcast_in_dim3A_80 = vector.broadcast %broadcast_in_dim3A_79 : f32 to vector<21x32xf32>
    %concatenate3A_81 = tpu.concatenate %slice3A_78, %broadcast_in_dim3A_80 in 1 : vector<21x992xf32>, vector<21x32xf32> -> vector<21x1024xf32>
    %add3A_82 = arith.addf %add3A_77, %concatenate3A_81 : vector<21x1024xf32>
    %slice3A_83 = vector.extract_strided_slice %add3A_82 {offsets = [0, 64], sizes = [21, 960], strides = [1, 1]} : vector<21x1024xf32> to vector<21x960xf32>
    %broadcast_in_dim3A_84 = arith.constant 0.000000e+00 : f32
    %broadcast_in_dim3A_85 = vector.broadcast %broadcast_in_dim3A_84 : f32 to vector<21x64xf32>
    %concatenate3A_86 = tpu.concatenate %slice3A_83, %broadcast_in_dim3A_85 in 1 : vector<21x960xf32>, vector<21x64xf32> -> vector<21x1024xf32>
    %add3A_87 = arith.addf %add3A_82, %concatenate3A_86 : vector<21x1024xf32>
    %slice3A_88 = vector.extract_strided_slice %add3A_87 {offsets = [0, 128], sizes = [21, 896], strides = [1, 1]} : vector<21x1024xf32> to vector<21x896xf32>
    %broadcast_in_dim3A_89 = arith.constant 0.000000e+00 : f32
    %broadcast_in_dim3A_90 = vector.broadcast %broadcast_in_dim3A_89 : f32 to vector<21x128xf32>
    %concatenate3A_91 = tpu.concatenate %slice3A_88, %broadcast_in_dim3A_90 in 1 : vector<21x896xf32>, vector<21x128xf32> -> vector<21x1024xf32>
    %add3A_92 = arith.addf %add3A_87, %concatenate3A_91 : vector<21x1024xf32>
    %slice3A_93 = vector.extract_strided_slice %add3A_92 {offsets = [0, 256], sizes = [21, 768], strides = [1, 1]} : vector<21x1024xf32> to vector<21x768xf32>
    %broadcast_in_dim3A_94 = arith.constant 0.000000e+00 : f32
    %broadcast_in_dim3A_95 = vector.broadcast %broadcast_in_dim3A_94 : f32 to vector<21x256xf32>
    %concatenate3A_96 = tpu.concatenate %slice3A_93, %broadcast_in_dim3A_95 in 1 : vector<21x768xf32>, vector<21x256xf32> -> vector<21x1024xf32>
    %add3A_97 = arith.addf %add3A_92, %concatenate3A_96 : vector<21x1024xf32>
    %slice3A_98 = vector.extract_strided_slice %add3A_97 {offsets = [0, 512], sizes = [21, 512], strides = [1, 1]} : vector<21x1024xf32> to vector<21x512xf32>
    %broadcast_in_dim3A_99 = arith.constant 0.000000e+00 : f32
    %broadcast_in_dim3A_100 = vector.broadcast %broadcast_in_dim3A_99 : f32 to vector<21x512xf32>
    %concatenate3A_101 = tpu.concatenate %slice3A_98, %broadcast_in_dim3A_100 in 1 : vector<21x512xf32>, vector<21x512xf32> -> vector<21x1024xf32>
    %add3A_102 = arith.addf %add3A_97, %concatenate3A_101 : vector<21x1024xf32>
    %slice3A_103 = vector.extract_strided_slice %add3A_102 {offsets = [0, 0], sizes = [21, 1], strides = [1, 1]} : vector<21x1024xf32> to vector<21x1xf32>
    %add3A_104 = vector.broadcast %slice3A_103 : vector<21x1xf32> to vector<21x1024xf32>
    %add3A_105 = arith.addf %add3A_104, %add3A_52 : vector<21x1024xf32>
    %sub3A = arith.subf %add3A_105, %add3A_102 : vector<21x1024xf32>
    %max3A = arith.constant 1.000000e+00 : f32
    %max3A_106 = vector.broadcast %max3A : f32 to vector<21x1024xf32>
    %max3A_107 = arith.maximumf %sub3A, %max3A_106 : vector<21x1024xf32>
    %sub3A_108 = vector.broadcast %slice3A_103 : vector<21x1xf32> to vector<21x1024xf32>
    %sub3A_109 = arith.subf %sub3A_108, %add3A_102 : vector<21x1024xf32>
    %div3A = arith.divf %sub3A_109, %max3A_107 : vector<21x1024xf32>
    %sub3A_110 = arith.constant 1.000000e+00 : f32
    %sub3A_111 = vector.broadcast %sub3A_110 : f32 to vector<21x1024xf32>
    %sub3A_112 = arith.subf %sub3A_111, %div3A : vector<21x1024xf32>
    %reduce_sum3A_113 = arith.constant dense<0.000000e+00> : vector<21xf32>
    %reduce_sum3A_114 = vector.multi_reduction <add>, %sub3A_112, %reduce_sum3A_113 [1] : vector<21x1024xf32> to vector<21xf32>
    %broadcast_in_dim3A_115 = vector.shape_cast %reduce_sum3A_114 : vector<21xf32> to vector<21x1xf32>
    %sub3A_116 = arith.constant 5.000000e-01 : f32
    %sub3A_117 = vector.broadcast %sub3A_116 : f32 to vector<21x1xf32>
    %sub3A_118 = arith.subf %broadcast_in_dim3A_115, %sub3A_117 : vector<21x1xf32>
    %mul3A = arith.constant 9.765625E-4 : f32
    %mul3A_119 = vector.broadcast %mul3A : f32 to vector<21x1xf32>
    %mul3A_120 = arith.mulf %mul3A_119, %sub3A_118 : vector<21x1xf32>
    %gt3A = arith.constant 0.000000e+00 : f32
    %gt3A_121 = vector.broadcast %gt3A : f32 to vector<21x1xf32>
    %gt3A_122 = arith.cmpf ogt, %slice3A_103, %gt3A_121 : vector<21x1xf32>
    %convert_element_type3A = arith.extui %gt3A_122 : vector<21x1xi1> to vector<21x1xi32>
    %convert_element_type3A_123 = arith.sitofp %convert_element_type3A : vector<21x1xi32> to vector<21x1xf32>
    %jit3A = arith.constant 0.000000e+00 : f32
    %broadcast_in_dim3A_124 = vector.broadcast %jit3A : f32 to vector<21x1xf32>
    %select_n3A = arith.select %gt3A_122, %mul3A_120, %broadcast_in_dim3A_124 : vector<21x1xi1>, vector<21x1xf32>
    %reduce_sum3A_125 = vector.shape_cast %select_n3A : vector<21x1xf32> to vector<1x21x1xf32>
    %reduce_sum3A_126 = arith.constant dense<0.000000e+00> : vector<1xf32>
    %reduce_sum3A_127 = vector.multi_reduction <add>, %reduce_sum3A_125, %reduce_sum3A_126 [1, 2] : vector<1x21x1xf32> to vector<1xf32>
    %reduce_sum3A_128 = vector.shape_cast %reduce_sum3A_127 : vector<1xf32> to vector<1x1x1xf32>
    %reduce_sum3A_129 = vector.extract %reduce_sum3A_128[0, 0, 0] : f32 from vector<1x1x1xf32>
    %reduce_sum3A_130 = vector.shape_cast %convert_element_type3A_123 : vector<21x1xf32> to vector<1x21x1xf32>
    %reduce_sum3A_131 = arith.constant dense<0.000000e+00> : vector<1xf32>
    %reduce_sum3A_132 = vector.multi_reduction <add>, %reduce_sum3A_130, %reduce_sum3A_131 [1, 2] : vector<1x21x1xf32> to vector<1xf32>
    %reduce_sum3A_133 = vector.shape_cast %reduce_sum3A_132 : vector<1xf32> to vector<1x1x1xf32>
    %reduce_sum3A_134 = vector.extract %reduce_sum3A_133[0, 0, 0] : f32 from vector<1x1x1xf32>
    %div3A_135 = arith.divf %reduce_sum3A_129, %reduce_sum3A_134 : f32
    %get3A_136 = arith.constant 0 : index
    %get3A_137 = arith.constant 0 : index
    %get3A_138 = vector.load %arg1[%get3A_136, %get3A_137] : memref<1x1024xf32, #tpu.memory_space<vmem>>, vector<1x1024xf32>
    %mul3A_139 = vector.broadcast %get3A_138 : vector<1x1024xf32> to vector<21x1024xf32>
    %mul3A_140 = arith.mulf %slice3A_4, %mul3A_139 : vector<21x1024xf32>
    %reduce_sum3A_141 = arith.constant dense<0.000000e+00> : vector<21xf32>
    %reduce_sum3A_142 = vector.multi_reduction <add>, %mul3A_140, %reduce_sum3A_141 [1] : vector<21x1024xf32> to vector<21xf32>
    %broadcast_in_dim3A_143 = vector.shape_cast %reduce_sum3A_142 : vector<21xf32> to vector<21x1xf32>
    %max3A_144 = arith.constant 1.000000e+00 : f32
    %max3A_145 = vector.broadcast %max3A_144 : f32 to vector<21x1xf32>
    %max3A_146 = arith.maximumf %slice3A_103, %max3A_145 : vector<21x1xf32>
    %div3A_147 = arith.constant 0x49800000 : f32
    %div3A_148 = vector.broadcast %div3A_147 : f32 to vector<21x1xf32>
    %div3A_149 = arith.divf %div3A_148, %max3A_146 : vector<21x1xf32>
    %jit3A_150 = arith.constant 0.000000e+00 : f32
    %broadcast_in_dim3A_151 = vector.broadcast %jit3A_150 : f32 to vector<21x1xf32>
    %select_n3A_152 = arith.select %gt3A_122, %div3A_149, %broadcast_in_dim3A_151 : vector<21x1xi1>, vector<21x1xf32>
    %reduce_sum3A_153 = vector.shape_cast %select_n3A_152 : vector<21x1xf32> to vector<1x21x1xf32>
    %reduce_sum3A_154 = arith.constant dense<0.000000e+00> : vector<1xf32>
    %reduce_sum3A_155 = vector.multi_reduction <add>, %reduce_sum3A_153, %reduce_sum3A_154 [1, 2] : vector<1x21x1xf32> to vector<1xf32>
    %reduce_sum3A_156 = vector.shape_cast %reduce_sum3A_155 : vector<1xf32> to vector<1x1x1xf32>
    %reduce_sum3A_157 = vector.extract %reduce_sum3A_156[0, 0, 0] : f32 from vector<1x1x1xf32>
    %div3A_158 = vector.broadcast %reduce_sum3A_157 : f32 to vector<21x1xf32>
    %div3A_159 = arith.divf %select_n3A_152, %div3A_158 : vector<21x1xf32>
    %jit3A_160 = arith.constant 9.99999974E-6 : f32
    %broadcast_in_dim3A_161 = vector.broadcast %jit3A_160 : f32 to vector<21x1xf32>
    %select_n3A_162 = arith.select %gt3A_122, %div3A_159, %broadcast_in_dim3A_161 : vector<21x1xi1>, vector<21x1xf32>
    %iota3A = tpu.iota {dimensions = array<i32: 0>} : vector<21x1xi32>
    %eq3A = arith.constant 0 : i32
    %eq3A_163 = vector.broadcast %eq3A : i32 to vector<21x1xi32>
    %eq3A_164 = arith.cmpi eq, %iota3A, %eq3A_163 : vector<21x1xi32>
    %mul3A_165 = arith.constant 2.000000e+00 : f32
    %mul3A_166 = vector.broadcast %mul3A_165 : f32 to vector<21x1xf32>
    %mul3A_167 = arith.mulf %mul3A_166, %div3A_159 : vector<21x1xf32>
    %jit3A_168 = arith.constant 9.99999974E-6 : f32
    %broadcast_in_dim3A_169 = vector.broadcast %jit3A_168 : f32 to vector<21x1xf32>
    %select_n3A_170 = arith.select %gt3A_122, %mul3A_167, %broadcast_in_dim3A_169 : vector<21x1xi1>, vector<21x1xf32>
    %select_n3A_171 = arith.select %eq3A_164, %select_n3A_170, %select_n3A_162 : vector<21x1xi1>, vector<21x1xf32>
    %mul3A_172 = arith.mulf %select_n3A_171, %broadcast_in_dim3A_143 : vector<21x1xf32>
    %reduce_sum3A_173 = vector.shape_cast %mul3A_172 : vector<21x1xf32> to vector<1x21x1xf32>
    %reduce_sum3A_174 = arith.constant dense<0.000000e+00> : vector<1xf32>
    %reduce_sum3A_175 = vector.multi_reduction <add>, %reduce_sum3A_173, %reduce_sum3A_174 [1, 2] : vector<1x21x1xf32> to vector<1xf32>
    %reduce_sum3A_176 = vector.shape_cast %reduce_sum3A_175 : vector<1xf32> to vector<1x1x1xf32>
    %reduce_sum3A_177 = vector.extract %reduce_sum3A_176[0, 0, 0] : f32 from vector<1x1x1xf32>
    %mul3A_178 = arith.mulf %select_n3A_171, %slice3A_103 : vector<21x1xf32>
    %reduce_sum3A_179 = vector.shape_cast %mul3A_178 : vector<21x1xf32> to vector<1x21x1xf32>
    %reduce_sum3A_180 = arith.constant dense<0.000000e+00> : vector<1xf32>
    %reduce_sum3A_181 = vector.multi_reduction <add>, %reduce_sum3A_179, %reduce_sum3A_180 [1, 2] : vector<1x21x1xf32> to vector<1xf32>
    %reduce_sum3A_182 = vector.shape_cast %reduce_sum3A_181 : vector<1xf32> to vector<1x1x1xf32>
    %reduce_sum3A_183 = vector.extract %reduce_sum3A_182[0, 0, 0] : f32 from vector<1x1x1xf32>
    %div3A_184 = arith.divf %reduce_sum3A_177, %reduce_sum3A_183 : f32
    %mul3A_185 = arith.constant 5.000000e-01 : f32
    %mul3A_186 = arith.mulf %mul3A_185, %div3A_184 : f32
    %mul3A_187 = arith.constant 5.000000e-01 : f32
    %mul3A_188 = arith.mulf %mul3A_187, %div3A_135 : f32
    %add3A_189 = arith.addf %mul3A_186, %mul3A_188 : f32
    %broadcast_in_dim3A_190 = vector.broadcast %add3A_189 : f32 to vector<1x1xf32>
    %swap3A = arith.constant 0 : index
    %swap3A_191 = arith.constant 0 : index
    %swap3A_192 = vector.load %arg2[%swap3A, %swap3A_191] : memref<1x1xf32, #tpu.memory_space<vmem>>, vector<1x1xf32>
    tpu.vector_store %arg2[%swap3A, %swap3A_191], %broadcast_in_dim3A_190 {strides = array<i32>} : memref<1x1xf32, #tpu.memory_space<vmem>>, vector<1x1xf32>,
    return
  }
}

</mosaic_0001>

<sc_bundles>
// kernel: kernel.5.cloned.1.call-start
scs
__scs_entry_jumppad:
0x0: {  	(pc) =	sbr.rel $0x88, $3  }
0x1: {  	(tag) =	ssettag $0x0;
	lr =	simm.s32 $0x1  }
0x2: {  	[smem:$0x3F9F] =	sst lr;
	_ =	strace $0xD0000000  }
0x3: {  	_ = 	snop  }
0x4: {  	_ = 	snop  }
0x5: {  	_ = 	snop  }
0x6: {  	_ = 	snop  }
0x7: {  	_ = 	snop  }
__scs_overlays_trampoline_lowered:
0x8: {  	[smem:$0x3FAE] =	sst s0  }
0x9: {  	[smem:$0x3FAF] =	sst s1  }
0xa: {  	[smem:$0x3FB0] =	sst s2  }
0xb: {  	[smem:$0x3FB1] =	sst s3  }
0xc: {  	[smem:$0x3FB2] =	sst s4  }
0xd: {  	[smem:$0x3FB3] =	sst s5  }
0xe: {  	[smem:$0x3FB4] =	sst s6  }
0xf: {  	[smem:$0x3FB5] =	sst s7  }
0x10: {  	[smem:$0x3FB6] =	sst s8  }
0x11: {  	[smem:$0x3FB7] =	sst s9;
	s0 =	simm.s32 @!p0 $0x0  }
0x12: {  	s1 =	sld [smem:$0x3F9D];
	s0 =	simm.s32 @p0 $0x1  }
0x13: {  	[smem:$0x3FB8] =	sst s0;
	s0 =	simm.s32 @!p1 $0x0  }
0x14: {  	s2 =	sld [smem:$0x3F9C];
	s0 =	simm.s32 @p1 $0x1  }
0x15: {  	[smem:$0x3FB9] =	sst s0;
	s0 =	simm.s32 @!p2 $0x0  }
0x16: {  	s3 =	sld [smem:$0x3FDB];
	s0 =	simm.s32 @p2 $0x1  }
0x17: {  	s4 =	simm.s32 $0x1BF5;
	[smem:$0x3FBB] =	sst s0  }
0x18: {  	s0 =	sld [smem:$0x3F9E];
	_ =	swait.ge [sflag:s4], $0x0  }
0x19: {  	s7 =	sld [smem:$0x3F9F]  }
0x1a: {  	s8 =	sadd.s32 $0xFFFFE003, lr  }
0x1b: {  	s9 =	sadd.s32 $0xFFFFFEF7, lr;
	s5 =	simm.s32 $0xFFFFFFFF;
	p2 =	slt.u32 s8, $0xFFFFF086  }
0x1c: {  	p1 =	slt.u32 s9, $0xF7A;
	s5 =	simm.s32 @!p2 $0x0  }
0x1d: {  	s5 =	simm.s32 @p1 $0x1;
	p0 =	seq.s32 s7, s2  }
0x1e: {  	s7 =	smul.u32 @!p0 $0xF7A, s2;
	p2 =	seq.s32 @!p0 s5, $0x0  }
0x1f: {  	s9 =	smul.u32 $0xF7A, s1;
	s8 =	simm.s32 @!p0 $0x1BF5;
	p2 =	por !p2, p0  }
0x20: {  	[sflag:s8] =	ssyncset.s32 @!p0 $0xFFFFF086;
	s6 =	sadd.s32 @!p0 s3, s7;
	s7 =	simm.s32 @!p0 $0x108  }
0x21: {  	s3 =	sadd.s32 s3, s9;
	s6 =	sadd.s32 @!p0 $0x88, s6;
	s7 =	simm.s32 @p2 $0x1082  }
0x22: {  	[simem:s7], [sflag:s8] =	dma.local @!p0 [hbm:s6], $0xF7A  }
0x23: {  	s9 =	sor.u32 $0xD0000000, s2;
	s6 =	simm.s32 $0x108;
	_ =	swait.ge @!p0 [sflag:s8], $0x0  }
0x24: {  	s3 =	sadd.s32 $0x88, s3;
	s6 =	simm.s32 @!p1 $0x1082;
	[sflag:s4] =	ssyncset.s32 $0xFFFFF086  }
0x25: {  	[simem:s6], [sflag:s4] =	dma.local [hbm:s3], $0xF7A  }
0x26: {  	[smem:$0x3F9F] =	sst s1;
	(tag) =	ssettag s2;
	_ =	strace s9  }
0x27: {  	s1 =	sld [smem:$0x3FAF]  }
0x28: {  	s2 =	sld [smem:$0x3FB0]  }
0x29: {  	s4 =	sld [smem:$0x3FB2]  }
0x2a: {  	p0 =	seq.s32 s5, $0x0;
	s5 =	sld [smem:$0x3FB3]  }
0x2b: {  	s6 =	sld [smem:$0x3FB4]  }
0x2c: {  	s7 =	sld [smem:$0x3FB5]  }
0x2d: {  	s3 =	simm.s32 $0x108;
	s8 =	sld [smem:$0x3FB6]  }
0x2e: {  	s3 =	simm.s32 @!p0 $0x1082;
	s9 =	sld [smem:$0x3FB7]  }
0x2f: {  	lr =	sadd.s32 s0, s3;
	s0 =	sld [smem:$0x3FAE]  }
0x30: {  	s3 =	sld [smem:$0x3FB1]  }
0x31: {  	[smem:$0x3FBA] =	sst s10  }
0x32: {  	s10 =	sld [smem:$0x3FB8];
	_ =	sdelay $0x3  }
0x33: {  	p0 =	seq.s32 s10, $0x1;
	s10 =	sld [smem:$0x3FBA];
	_ =	sdelay $0x3  }
0x34: {  	[smem:$0x3FBA] =	sst s10  }
0x35: {  	s10 =	sld [smem:$0x3FB9];
	_ =	sdelay $0x3  }
0x36: {  	p1 =	seq.s32 s10, $0x1;
	s10 =	sld [smem:$0x3FBA];
	_ =	sdelay $0x3  }
0x37: {  	[smem:$0x3FBA] =	sst s10  }
0x38: {  	s10 =	sld [smem:$0x3FBB]  }
0x39: {  	_ = 	snop;
	(pc) =	sbr.ind lr, $3  }
0x3a: {  	_ = 	snop  }
0x3b: {  	_ = 	snop  }
0x3c: {  	p2 =	seq.s32 s10, $0x1;
	s10 =	sld [smem:$0x3FBA]  }
0x3d: {  	_ =	shalt  }
0x3e: {  	_ =	shalt  }
0x3f: {  	_ =	shalt  }
0x40: {  	_ =	shalt  }
0x41: {  	_ =	shalt  }
0x42: {  	_ =	shalt  }
0x43: {  	_ =	shalt  }
0x44: {  	_ =	shalt  }
0x45: {  	_ =	shalt  }
0x46: {  	_ =	shalt  }
0x47: {  	_ =	shalt  }
0x48: {  	_ =	shalt  }
0x49: {  	_ =	shalt  }
0x4a: {  	_ =	shalt  }
0x4b: {  	_ =	shalt  }
0x4c: {  	_ =	shalt  }
0x4d: {  	_ =	shalt  }
0x4e: {  	_ =	shalt  }
0x4f: {  	_ =	shalt  }
0x50: {  	_ =	shalt  }
0x51: {  	_ =	shalt  }
0x52: {  	_ =	shalt  }
0x53: {  	_ =	shalt  }
0x54: {  	_ =	shalt  }
0x55: {  	_ =	shalt  }
0x56: {  	_ =	shalt  }
0x57: {  	_ =	shalt  }
0x58: {  	_ =	shalt  }
0x59: {  	_ =	shalt  }
0x5a: {  	_ =	shalt  }
0x5b: {  	_ =	shalt  }
0x5c: {  	_ =	shalt  }
0x5d: {  	_ =	shalt  }
0x5e: {  	_ =	shalt  }
0x5f: {  	_ =	shalt  }
0x60: {  	_ =	shalt  }
0x61: {  	_ =	shalt  }
0x62: {  	_ =	shalt  }
0x63: {  	_ =	shalt  }
0x64: {  	_ =	shalt  }
0x65: {  	_ =	shalt  }
0x66: {  	_ =	shalt  }
0x67: {  	_ =	shalt  }
0x68: {  	_ =	shalt  }
0x69: {  	_ =	shalt  }
0x6a: {  	_ =	shalt  }
0x6b: {  	_ =	shalt  }
0x6c: {  	_ =	shalt  }
0x6d: {  	_ =	shalt  }
0x6e: {  	_ =	shalt  }
0x6f: {  	_ =	shalt  }
0x70: {  	_ =	shalt  }
0x71: {  	_ =	shalt  }
0x72: {  	_ =	shalt  }
0x73: {  	_ =	shalt  }
0x74: {  	_ =	shalt  }
0x75: {  	_ =	shalt  }
0x76: {  	_ =	shalt  }
0x77: {  	_ =	shalt  }
0x78: {  	_ =	shalt  }
0x79: {  	_ =	shalt  }
0x7a: {  	_ =	shalt  }
0x7b: {  	_ =	shalt  }
0x7c: {  	_ =	shalt  }
0x7d: {  	_ =	shalt  }
0x7e: {  	_ =	shalt  }
0x7f: {  	_ =	shalt  }
0x80: {  	_ =	shalt  }
0x81: {  	_ =	shalt  }
0x82: {  	_ =	shalt  }
0x83: {  	_ =	shalt  }
0x84: {  	_ =	shalt  }
0x85: {  	_ =	shalt  }
0x86: {  	_ =	shalt  }
0x87: {  	_ =	shalt  }
.Lfunc_end0:
.L_simem_size_0:
called_computation_lowered:
.L_overlay_start_0:
0x88: {  	s2 =	sld [smem:$0x3FD9]  }
0x89: {  	s3 =	sld [smem:$0x3FFE];
	_ =	sdelay $0x1  }
0x8a: {  	s1 =	srdreg.scid  }
0x8b: {  	s0 =	sand.u32 $0x1, s1  }
0x8c: {  	s16 =	sshll.u32 s0, $0xA;
	s2 =	sadd.s32 s3, s2  }
0x8d: {  	s2 =	sadd.s32 s2, s16  }
0x8e: {  	[smem:$0x3FC6] =	sst s2  }
0x8f: {  	_ = 	snop  }
0x90: {  	(tm) =	ssettm $0x1  }
0x91: {  	s17 =	sld [smem:$0x3FFB];
	_ =	sdelay $0x3  }
0x92: {  	_ =	strace s17  }
0x93: {  	s2 =	sld [smem:$0x3FFC];
	_ =	sdelay $0x3  }
0x94: {  	_ =	strace s2  }
0x95: {  	s2 =	sld [smem:$0x3FFD];
	_ =	sdelay $0x3  }
0x96: {  	_ =	strace s2  }
0x97: {  	_ =	strace $0x8FFFFFFF  }
0x98: {  	s18 =	sld [smem:$0x3FDB];
	_ =	sdelay $0x1  }
0x99: {  	s19 =	simm.s32 $_scs_section_size  }
0x9a: {  	s4 =	simm.s32 $_size__tile_overlayer_lowered;
	s5 =	simm.s32 $_tile_overlayer_lowered  }
0x9b: {  	s22 =	simm.s32 $0x1BFF;
	s21 =	sshll.u32 s5, $0x1;
	s2 =	sadd.s32 s19, s18  }
0x9c: {  	s6 =	simm.s32 $0x0;
	s20 =	sshll.u32 s4, $0x1;
	s4 =	sadd.s32 s21, s2  }
0x9d: {  	[timem:s6], [sflag:s22] =	dma.local [hbm:s4], s20  }
0x9e: {  	_ =	swait.ge [sflag:s22], s20  }
0x9f: {  	s3 =	ssub.s32 $0x0, s20;
	[sflag:s22] =	ssyncset.done $0x0  }
0xa0: {  	[sflag:s22] =	ssyncadd.s32 s3;
	_ =	sdelay $0x1  }
0xa1: {  	s23 =	simm.s32 $0x1B8B  }
0xa2: {  	_ =	swait.ge [sflag:s23], $0x1  }
0xa3: {  	[sflag:s23] =	ssyncset.done $0x0  }
0xa4: {  	s25 =	simm.s32 $0x1B8E;
	s24 =	sld [smem:$0x3FFE];
	[sflag:s23] =	ssyncadd.s32 $0xFFFFFFFF  }
0xa5: {  	s26 =	simm.s32 $execute0_lowered;
	[smem:$0x3FD2] =	sst s25  }
0xa6: {  	s4 =	sshll.u32 s26, $0x1;
	_ =	strace $0x80000046;
	[dreg:$0x1] =	wrdreg $0xFFFFFFFF  }
0xa7: {  	s28 =	simm.s32 $_size_execute0_lowered;
	s2 =	sadd.s32 s2, s4;
	[dreg:$0x0] =	wrdreg $0x0  }
0xa8: {  	s4 =	sshll.u32 s28, $0x1;
	[dreg:$0x2] =	wrdreg s2  }
0xa9: {  	[dreg:$0x3] =	wrdreg s4  }
0xaa: {  	[dreg:$0x4] =	wrdreg $0xC0  }
0xab: {  	_ =	task [dreg:s6], $0x5FFFF  }
0xac: {  	[dreg:$0x1] =	wrdreg $0xFFFFFFFF  }
0xad: {  	[dreg:$0x0] =	wrdreg $0x60  }
0xae: {  	[dreg:$0x2] =	wrdreg s24  }
0xaf: {  	[dreg:$0x3] =	wrdreg $0x9  }
0xb0: {  	_ =	task.clear_ibuf [dreg:s6], $0x4FFFF;
	_ =	strace $0x90000046  }
0xb1: {  	s29 =	simm.s32 $0x9;
	_ =	strace $0x80000048  }
0xb2: {  	_ =	swait.ge [sflag:s29], $0x1  }
0xb3: {  	[sflag:s29] =	ssyncadd.s32 $0xFFFFFFFF  }
0xb4: {  	_ =	strace $0x90000048  }
0xb5: {  	_ =	sfence  }
0xb6: {  	s30 =	sld [smem:$0x0];
	_ =	sdelay $0x2  }
0xb7: {  	s31 =	sshll.u32 s1, $0xD;
	s1 =	sshrl.u32 s1, $0x2  }
0xb8: {  	s3 =	sand.u32 $0x4000, s31;
	s1 =	sadd.s32 s1, s30  }
0xb9: {  	s0 =	sor.u32 s3, s0;
	s1 =	sshll.u32 s1, $0x11  }
0xba: {  	s0 =	sor.u32 s1, s0  }
0xbb: {  	s0 =	sadd.s32 $0x8F2B, s0  }
0xbc: {  	[sflag:s0] =	ssyncadd.remote.s32 $0x1  }
0xbd: {  	_ =	sfence.sel $0xFFFF  }
0xbe: {  	[dreg:$0x0] =	wrdreg $0xFFFFFFFF;
	(pc) =	sbr.abs _section_cstart, $3  }
0xbf: {  	[dreg:$0x1] =	wrdreg $0xFFFFFFFF  }
0xc0: {  	_ =	task.clear_ibuf [dreg:s6], $0x2FFFF;
	_ =	strace $0x9FFFFFFF  }
0xc1: {  	(tm) =	ssettm $0x7FFFFFFF  }
tec
execute0_lowered:
.L_overlay_start_1:
0x0: {  	(tag) =	ssettag $0x1  }
0x1: {  	s1 =	srdreg.scid  }
0x2: {  	s0 =	stileid.u32;
	s4 =	rddreg [dreg:$0x0];
	s2 =	simm.s32 $0x0  }
0x3: {  	s12 =	simm.s32 $0x8000;
	s13 =	simm.s32 $0x12800;
	s14 =	simm.s32 $0x80  }
0x4: {  	s15 =	simm.s32 $0x100;
	s3 =	sand.u32 $0x1, s1;
	s5 =	sshll.u32 s0, $0x1  }
0x5: {  	s16 =	simm.s32 $0x2;
	s1 =	rddreg [dreg:$0x1];
	s5 =	sor.u32 s3, s5  }
0x6: {  	[smem:$0x7FF] =	sst s2;
	s7 =	ssub.s32 $0x2, s3;
	s6 =	smul.u32 $0xA8000, s5  }
0x7: {  	_ =	strace $0x80000047;
	s5 =	smul.u32 $0x2A00, s5;
	s8 =	sshrl.u32 s7, $0x1  }
0x8: {  	s3 =	sadd.s32 $0x800, s4;
	s11 =	ssub.s32 s7, s8;
	s9 =	sshrl.u32 s6, $0x3  }
0x9: {  	s10 =	sadd.s32 s5, s4;
	s5 =	sor.u32 $0x4000, s6;
	s6 =	sadd.s32 $0x8000, s6  }
0xa: {  	s4 =	sadd.s32 s3, s9;
	s7 =	sadd.s32 $0x2A0800, s10;
	s8 =	sadd.s32 $0x2A0810, s10  }
0xb: {  	v0 =	vimm.f32 $0.0e+00;
	v1 =	vimm.f32 $1.000000000e+00;
	s9 =	smax.u32 s11, $0x1;
	s10 =	simm.s32 $0x1;
	s11 =	simm.s32 $0x4000  }
.LBB2_1:
0xc: {  	s17 =	simm.s32 $0x40;
	s18 =	simm.s32 $0x0  }
.LBB2_2:
0xd: {  	p0 =	sne.s32 s17, $0x29FC0;
	[tilespmem:s18+$0x8000] =	vst v0;
	s19 =	smov.u32 s17;
	s17 =	sadd.s32 $0x40, s17  }
.Ltmp0:
0xe: {  	[tilespmem:s18+$0x12800] =	vst v0;
	(pc) =	sbr.rel @p0 .LBB2_2-.Ltmp0, $2  }
0xf: {  	_ =	sdelay $0x2  }
0x10: {  	s18 =	sshra.s32 s19, $0x2  }
0x11: {  	[tilespmem:s18+$0x8000] =	vst v0  }
0x12: {  	[tilespmem:s18+$0x12800] =	vst v0;
	s17 =	simm.s32 $0x0;
	s18 =	simm.s32 $0x0  }
0x13: {  	[tilespmem:s17], [sflag:$0x1] =	stream.linear.gather [hbm4b:s4+s17], $0x4000, $0x38;
	[tilespmem:$0x1D000] =	vst v63  }
.LBB2_4:
0x14: {  	s19 =	sshll.u32 s18, $0xF  }
0x15: {  	_ =	swait.ge [sflag:s10], $0x4000;
	s20 =	sadd.s32 s19, s5  }
0x16: {  	[sflag:s10] =	ssyncset.done $0x0;
	s20 =	sshrl.u32 s20, $0x3  }
0x17: {  	s31 =	simm.s32 $0x0;
	[sflag:s10] =	ssyncadd.s32 $0xFFFFC000;
	s20 =	sadd.s32 s3, s20  }
0x18: {  	[tilespmem:s11], [sflag:$0x1] =	stream.linear.gather [hbm4b:s20+s17], $0x4000, $0x38;
	[tilespmem:$0x1D000] =	vst v63  }
0x19: {  	v2 =	vld [tilespmem:s31+$0xF0]  }
0x1a: {  	v3 =	vld [tilespmem:s31+$0x50]  }
0x1b: {  	v4 =	vld [tilespmem:s31+$0xD0]  }
0x1c: {  	v5 =	vld [tilespmem:s31+$0xB0]  }
0x1d: {  	v6 =	vld [tilespmem:s31+$0x30]  }
0x1e: {  	v7 =	vld [tilespmem:s31+$0x40]  }
0x1f: {  	v8 =	vld [tilespmem:s31+$0x10]  }
0x20: {  	v9 =	vld [tilespmem:s31+$0x20]  }
0x21: {  	v10 =	vld [tilespmem:s31+$0x0]  }
0x22: {  	v11 =	vld [tilespmem:s31+$0x90]  }
0x23: {  	v12 =	vld [tilespmem:s31+$0x60]  }
0x24: {  	v13 =	vld [tilespmem:s31+$0x70]  }
0x25: {  	v14 =	vld [tilespmem:s31+$0xC0]  }
0x26: {  	v15 =	vld [tilespmem:s31+$0x80]  }
0x27: {  	v16 =	vld [tilespmem:s31+$0xE0]  }
0x28: {  	v17 =	vld [tilespmem:s31+$0xA0]  }
0x29: {  	[tilespmem:v10+s12+$0x0] =	vst.idx.add.f32.msk $0xffff, v1  }
0x2a: {  	[tilespmem:v8+s13+$0x0] =	vst.idx.add.f32.msk $0xffff, v1  }
0x2b: {  	[tilespmem:v9+s12+$0x0] =	vst.idx.add.f32.msk $0xffff, v1  }
0x2c: {  	[tilespmem:v6+s13+$0x0] =	vst.idx.add.f32.msk $0xffff, v1  }
0x2d: {  	[tilespmem:v7+s12+$0x0] =	vst.idx.add.f32.msk $0xffff, v1  }
0x2e: {  	[tilespmem:v3+s13+$0x0] =	vst.idx.add.f32.msk $0xffff, v1  }
0x2f: {  	[tilespmem:v12+s12+$0x0] =	vst.idx.add.f32.msk $0xffff, v1  }
0x30: {  	[tilespmem:v13+s13+$0x0] =	vst.idx.add.f32.msk $0xffff, v1  }
0x31: {  	[tilespmem:v15+s12+$0x0] =	vst.idx.add.f32.msk $0xffff, v1  }
0x32: {  	[tilespmem:v11+s13+$0x0] =	vst.idx.add.f32.msk $0xffff, v1  }
0x33: {  	[tilespmem:v17+s12+$0x0] =	vst.idx.add.f32.msk $0xffff, v1  }
0x34: {  	[tilespmem:v5+s13+$0x0] =	vst.idx.add.f32.msk $0xffff, v1  }
0x35: {  	[tilespmem:v14+s12+$0x0] =	vst.idx.add.f32.msk $0xffff, v1  }
0x36: {  	[tilespmem:v4+s13+$0x0] =	vst.idx.add.f32.msk $0xffff, v1  }
0x37: {  	s20 =	simm.s32 $0x400;
	[tilespmem:v16+s12+$0x0] =	vst.idx.add.f32.msk $0xffff, v1  }
.LBB2_5:
0x38: {  	s21 =	sshra.s32 s20, $0x2;
	p0 =	sne.s32 s20, $0xFC00;
	s20 =	sadd.s32 $0x400, s20;
	[tilespmem:v2+s13+$0x0] =	vst.idx.add.f32.msk $0xffff, v1  }
0x39: {  	v2 =	vld [tilespmem:s21+$0xF0]  }
0x3a: {  	v3 =	vld [tilespmem:s21+$0x50]  }
0x3b: {  	v4 =	vld [tilespmem:s21+$0xD0]  }
0x3c: {  	v5 =	vld [tilespmem:s21+$0xB0]  }
0x3d: {  	v6 =	vld [tilespmem:s21+$0x30]  }
0x3e: {  	v7 =	vld [tilespmem:s21+$0x40]  }
0x3f: {  	v8 =	vld [tilespmem:s21+$0x10]  }
0x40: {  	v9 =	vld [tilespmem:s21+$0x20]  }
0x41: {  	v10 =	vld [tilespmem:s21+$0x0]  }
0x42: {  	v11 =	vld [tilespmem:s21+$0x90]  }
0x43: {  	v12 =	vld [tilespmem:s21+$0x60]  }
0x44: {  	v13 =	vld [tilespmem:s21+$0x70]  }
0x45: {  	v14 =	vld [tilespmem:s21+$0xC0]  }
0x46: {  	v15 =	vld [tilespmem:s21+$0x80]  }
0x47: {  	v16 =	vld [tilespmem:s21+$0xE0]  }
0x48: {  	v17 =	vld [tilespmem:s21+$0xA0]  }
0x49: {  	[tilespmem:v10+s12+$0x0] =	vst.idx.add.f32.msk $0xffff, v1  }
0x4a: {  	[tilespmem:v8+s13+$0x0] =	vst.idx.add.f32.msk $0xffff, v1  }
0x4b: {  	[tilespmem:v9+s12+$0x0] =	vst.idx.add.f32.msk $0xffff, v1  }
0x4c: {  	[tilespmem:v6+s13+$0x0] =	vst.idx.add.f32.msk $0xffff, v1  }
0x4d: {  	[tilespmem:v7+s12+$0x0] =	vst.idx.add.f32.msk $0xffff, v1  }
0x4e: {  	[tilespmem:v3+s13+$0x0] =	vst.idx.add.f32.msk $0xffff, v1  }
0x4f: {  	[tilespmem:v12+s12+$0x0] =	vst.idx.add.f32.msk $0xffff, v1  }
0x50: {  	[tilespmem:v13+s13+$0x0] =	vst.idx.add.f32.msk $0xffff, v1  }
0x51: {  	[tilespmem:v15+s12+$0x0] =	vst.idx.add.f32.msk $0xffff, v1  }
0x52: {  	[tilespmem:v11+s13+$0x0] =	vst.idx.add.f32.msk $0xffff, v1  }
.Ltmp1:
0x53: {  	[tilespmem:v17+s12+$0x0] =	vst.idx.add.f32.msk $0xffff, v1;
	(pc) =	sbr.rel @p0 .LBB2_5-.Ltmp1, $4  }
0x54: {  	[tilespmem:v5+s13+$0x0] =	vst.idx.add.f32.msk $0xffff, v1  }
0x55: {  	[tilespmem:v14+s12+$0x0] =	vst.idx.add.f32.msk $0xffff, v1  }
0x56: {  	[tilespmem:v4+s13+$0x0] =	vst.idx.add.f32.msk $0xffff, v1  }
0x57: {  	[tilespmem:v16+s12+$0x0] =	vst.idx.add.f32.msk $0xffff, v1  }
0x58: {  	_ =	sdelay $0x3  }
0x59: {  	[tilespmem:v2+s13+$0x0] =	vst.idx.add.f32.msk $0xffff, v1;
	p0 =	seq.s32 s18, $0x14  }
0x5a: {  	_ =	swait.ge [sflag:s10], $0x4000;
	s19 =	sadd.s32 @!p0 s19, s6  }
0x5b: {  	s31 =	simm.s32 $0x0;
	[sflag:s10] =	ssyncset.done $0x0;
	s19 =	sshrl.u32 @!p0 s19, $0x3  }
0x5c: {  	s20 =	simm.s32 @!p0 $0x0;
	[sflag:s10] =	ssyncadd.s32 $0xFFFFC000;
	s19 =	sadd.s32 @!p0 s3, s19  }
0x5d: {  	[tilespmem:s20], [sflag:$0x1] =	stream.linear.gather @!p0 [hbm4b:s19+s20], $0x4000, $0x38;
	[tilespmem:$0x1D000] =	vst v63  }
0x5e: {  	v2 =	vld [tilespmem:s31+$0x40F0]  }
0x5f: {  	v3 =	vld [tilespmem:s31+$0x4050]  }
0x60: {  	v4 =	vld [tilespmem:s31+$0x40D0]  }
0x61: {  	v5 =	vld [tilespmem:s31+$0x40B0]  }
0x62: {  	v6 =	vld [tilespmem:s31+$0x4030]  }
0x63: {  	v7 =	vld [tilespmem:s31+$0x4040]  }
0x64: {  	v8 =	vld [tilespmem:s31+$0x4010]  }
0x65: {  	v9 =	vld [tilespmem:s31+$0x4020]  }
0x66: {  	v10 =	vld [tilespmem:s31+$0x4000]  }
0x67: {  	v11 =	vld [tilespmem:s31+$0x4090]  }
0x68: {  	v12 =	vld [tilespmem:s31+$0x4060]  }
0x69: {  	v13 =	vld [tilespmem:s31+$0x4070]  }
0x6a: {  	v14 =	vld [tilespmem:s31+$0x40C0]  }
0x6b: {  	v15 =	vld [tilespmem:s31+$0x4080]  }
0x6c: {  	v16 =	vld [tilespmem:s31+$0x40E0]  }
0x6d: {  	v17 =	vld [tilespmem:s31+$0x40A0]  }
0x6e: {  	[tilespmem:v10+s12+$0x0] =	vst.idx.add.f32.msk $0xffff, v1  }
0x6f: {  	[tilespmem:v8+s13+$0x0] =	vst.idx.add.f32.msk $0xffff, v1  }
0x70: {  	[tilespmem:v9+s12+$0x0] =	vst.idx.add.f32.msk $0xffff, v1  }
0x71: {  	[tilespmem:v6+s13+$0x0] =	vst.idx.add.f32.msk $0xffff, v1  }
0x72: {  	[tilespmem:v7+s12+$0x0] =	vst.idx.add.f32.msk $0xffff, v1  }
0x73: {  	[tilespmem:v3+s13+$0x0] =	vst.idx.add.f32.msk $0xffff, v1  }
0x74: {  	[tilespmem:v12+s12+$0x0] =	vst.idx.add.f32.msk $0xffff, v1  }
0x75: {  	[tilespmem:v13+s13+$0x0] =	vst.idx.add.f32.msk $0xffff, v1  }
0x76: {  	[tilespmem:v15+s12+$0x0] =	vst.idx.add.f32.msk $0xffff, v1  }
0x77: {  	[tilespmem:v11+s13+$0x0] =	vst.idx.add.f32.msk $0xffff, v1  }
0x78: {  	[tilespmem:v17+s12+$0x0] =	vst.idx.add.f32.msk $0xffff, v1  }
0x79: {  	[tilespmem:v5+s13+$0x0] =	vst.idx.add.f32.msk $0xffff, v1  }
0x7a: {  	[tilespmem:v14+s12+$0x0] =	vst.idx.add.f32.msk $0xffff, v1  }
0x7b: {  	[tilespmem:v4+s13+$0x0] =	vst.idx.add.f32.msk $0xffff, v1  }
0x7c: {  	s19 =	simm.s32 $0x400;
	[tilespmem:v16+s12+$0x0] =	vst.idx.add.f32.msk $0xffff, v1  }
.LBB2_7:
0x7d: {  	s20 =	sshra.s32 s19, $0x2;
	p0 =	sne.s32 s19, $0xFC00;
	s19 =	sadd.s32 $0x400, s19;
	[tilespmem:v2+s13+$0x0] =	vst.idx.add.f32.msk $0xffff, v1  }
0x7e: {  	v2 =	vld [tilespmem:s20+$0x40F0]  }
0x7f: {  	v3 =	vld [tilespmem:s20+$0x4050]  }
0x80: {  	v4 =	vld [tilespmem:s20+$0x40D0]  }
0x81: {  	v5 =	vld [tilespmem:s20+$0x40B0]  }
0x82: {  	v6 =	vld [tilespmem:s20+$0x4030]  }
0x83: {  	v7 =	vld [tilespmem:s20+$0x4040]  }
0x84: {  	v8 =	vld [tilespmem:s20+$0x4010]  }
0x85: {  	v9 =	vld [tilespmem:s20+$0x4020]  }
0x86: {  	v10 =	vld [tilespmem:s20+$0x4000]  }
0x87: {  	v11 =	vld [tilespmem:s20+$0x4090]  }
0x88: {  	v12 =	vld [tilespmem:s20+$0x4060]  }
0x89: {  	v13 =	vld [tilespmem:s20+$0x4070]  }
0x8a: {  	v14 =	vld [tilespmem:s20+$0x40C0]  }
0x8b: {  	v15 =	vld [tilespmem:s20+$0x4080]  }
0x8c: {  	v16 =	vld [tilespmem:s20+$0x40E0]  }
0x8d: {  	v17 =	vld [tilespmem:s20+$0x40A0]  }
0x8e: {  	[tilespmem:v10+s12+$0x0] =	vst.idx.add.f32.msk $0xffff, v1  }
0x8f: {  	[tilespmem:v8+s13+$0x0] =	vst.idx.add.f32.msk $0xffff, v1  }
0x90: {  	[tilespmem:v9+s12+$0x0] =	vst.idx.add.f32.msk $0xffff, v1  }
0x91: {  	[tilespmem:v6+s13+$0x0] =	vst.idx.add.f32.msk $0xffff, v1  }
0x92: {  	[tilespmem:v7+s12+$0x0] =	vst.idx.add.f32.msk $0xffff, v1  }
0x93: {  	[tilespmem:v3+s13+$0x0] =	vst.idx.add.f32.msk $0xffff, v1  }
0x94: {  	[tilespmem:v12+s12+$0x0] =	vst.idx.add.f32.msk $0xffff, v1  }
0x95: {  	[tilespmem:v13+s13+$0x0] =	vst.idx.add.f32.msk $0xffff, v1  }
0x96: {  	[tilespmem:v15+s12+$0x0] =	vst.idx.add.f32.msk $0xffff, v1  }
0x97: {  	[tilespmem:v11+s13+$0x0] =	vst.idx.add.f32.msk $0xffff, v1  }
.Ltmp2:
0x98: {  	[tilespmem:v17+s12+$0x0] =	vst.idx.add.f32.msk $0xffff, v1;
	(pc) =	sbr.rel @p0 .LBB2_7-.Ltmp2, $4  }
0x99: {  	[tilespmem:v5+s13+$0x0] =	vst.idx.add.f32.msk $0xffff, v1  }
0x9a: {  	[tilespmem:v14+s12+$0x0] =	vst.idx.add.f32.msk $0xffff, v1  }
0x9b: {  	[tilespmem:v4+s13+$0x0] =	vst.idx.add.f32.msk $0xffff, v1  }
0x9c: {  	[tilespmem:v16+s12+$0x0] =	vst.idx.add.f32.msk $0xffff, v1  }
0x9d: {  	s18 =	sadd.s32 $0x1, s18  }
0x9e: {  	p0 =	sne.s32 s18, $0x15  }
.Ltmp3:
0x9f: {  	_ = 	snop;
	(pc) =	sbr.rel @p0 .LBB2_4-.Ltmp3, $2  }
0xa0: {  	_ =	sdelay $0x2  }
0xa1: {  	[tilespmem:v2+s13+$0x0] =	vst.idx.add.f32.msk $0xffff, v1  }
0xa2: {  	[hbm4b:s7+s14] =	stream.strided.scatter [tilespmem:s12], [sflag:$0x2], $0xA800, s15, s14, $0x38;
	[tilespmem:$0x1D000] =	vst v63  }
0xa3: {  	s2 =	sadd.s32 $0x1, s2;
	_ =	swait.ge [sflag:s16], $0xA800  }
0xa4: {  	p0 =	sne.s32 s2, s9;
	[sflag:s16] =	ssyncset.done $0x0  }
.Ltmp4:
0xa5: {  	[sflag:s16] =	ssyncadd.s32 $0xFFFF5800;
	(pc) =	sbr.rel @p0 .LBB2_1-.Ltmp4, $4  }
0xa6: {  	[hbm4b:s8+s14] =	stream.strided.scatter [tilespmem:s13], [sflag:$0x2], $0xA800, s15, s14, $0x38;
	[tilespmem:$0x1D000] =	vst v63  }
0xa7: {  	_ =	swait.ge [sflag:s16], $0xA800  }
0xa8: {  	[sflag:s16] =	ssyncset.done $0x0  }
0xa9: {  	[sflag:s16] =	ssyncadd.s32 $0xFFFF5800  }
0xaa: {  	_ =	sfence.sel $0x180000  }
0xab: {  	[bflag:$0x0] =	sbarrier.arrive $0xFFFF  }
0xac: {  	p0 =	sne.s32 s0, $0x0;
	_ =	strace $0x90000047  }
0xad: {  	s0 =	sadd.s32 @!p0 $0x100000, s1;
	[bflag:$0x2] =	sbarrier.arrive $0xFFFF  }
0xae: {  	[sflag:s0] =	ssyncadd.tile.s32 @!p0 $0x1;
	_ =	shalt  }
.Lfunc_end2:
_tile_overlayer_lowered:
.L_overlay_start_2:
0xaf: {  	(tag) =	ssettag $0x2  }
0xb0: {  	s0 =	rddreg [dreg:$0x0];
	s2 =	stileid.u32  }
0xb1: {  	s1 =	rddreg [dreg:$0x1];
	p0 =	sne.s32 s2, $0x0  }
0xb2: {  	s3 =	rddreg [dreg:$0x2];
	[bflag:$0x3] =	sbarrier.arrive $0xFFFF;
	s2 =	simm.s32 @!p0 $0x1C02  }
0xb3: {  	[timem:s3], [sflag:s2] =	dma.local @!p0 [hbm:s0], s1  }
0xb4: {  	s0 =	simm.s32 @!p0 $0x2  }
0xb5: {  	_ =	swait.ge @!p0 [sflag:s0], s1  }
0xb6: {  	s1 =	ssub.s32 @!p0 $0x0, s1;
	[sflag:s0] =	ssyncset.done @!p0 $0x0  }
0xb7: {  	[sflag:s0] =	ssyncadd.s32 @!p0 s1  }
0xb8: {  	[bflag:$0x3] =	sbarrier.arrive $0xFFFF  }
0xb9: {  	_ =	shalt  }

</sc_bundles>
